<compile_context>
chip_gen: v7x
topology: tpu7x:2x2x1
jax: 0.10.2.dev20260603
libtpu: 0.0.44.dev20260713+nightly
codegen_flags: <defaults>
</compile_context>

<pallas_src>
import functools

import jax
import jax.numpy as jnp
from jax import lax
from jax.experimental import pallas as pl
from jax.experimental.pallas import tpu as pltpu
from jax.experimental.pallas import tpu_sc as plsc

_A = 3
_B = 16
_N = 128
_C = 15
_H = 64
_T = 4096
_LC = 5.0
_LN = 0.5

_NW = 16
_CHUNK = 128
_WCHUNK = 6


def _softplus(x):
    return jnp.maximum(x, 0.0) + jnp.log(1.0 + jnp.exp(-jnp.abs(x)))


def _sigmoid(x):
    t = jnp.exp(-jnp.abs(x))
    return jnp.where(x >= 0, 1.0 / (1.0 + t), t / (1.0 + t))


def _prep_body(anc_ref, tgt_ref, tgtt_ref, idx_ref, tval_ref, keep_ref):
    cls = tgt_ref[0]
    gx = tgt_ref[1]
    gy = tgt_ref[2]
    gw = tgt_ref[3]
    gh = tgt_ref[4]
    aw0 = anc_ref[0, 0]
    aw1 = anc_ref[1, 0]
    aw2 = anc_ref[2, 0]
    ah0 = anc_ref[0, 1]
    ah1 = anc_ref[1, 1]
    ah2 = anc_ref[2, 1]

    valid = cls != -1.0
    gi = jnp.clip(jnp.floor(gx * _T).astype(jnp.int32), 0, _T - 1)
    gj = jnp.clip(jnp.floor(gy * _H).astype(jnp.int32), 0, _H - 1)
    d0 = jnp.abs(aw0 - gw)
    d1 = jnp.abs(aw1 - gw)
    d2 = jnp.abs(aw2 - gw)
    b1 = d1 < d0
    bd = jnp.where(b1, d1, d0)
    b2 = d2 < bd
    best = jnp.where(b2, 2, jnp.where(b1, 1, 0)).astype(jnp.int32)
    awb = jnp.where(b2, aw2, jnp.where(b1, aw1, aw0))
    ahb = jnp.where(b2, ah2, jnp.where(b1, ah1, ah0))

    tval_ref[0] = gx * _T - gi.astype(jnp.float32)
    tval_ref[1] = gy * _H - gj.astype(jnp.float32)
    tval_ref[2] = jnp.log(gw / awb + 1e-16)
    tval_ref[3] = jnp.log(gh / ahb + 1e-16)

    cell = (best * _H + gj) * _T + gi

    clsT = tgtt_ref[0]
    gxT = tgtt_ref[1]
    gyT = tgtt_ref[2]
    gwT = tgtt_ref[3]
    validT = clsT != -1.0
    giT = jnp.clip(jnp.floor(gxT * _T).astype(jnp.int32), 0, _T - 1)
    gjT = jnp.clip(jnp.floor(gyT * _H).astype(jnp.int32), 0, _H - 1)
    d0T = jnp.abs(aw0 - gwT)
    d1T = jnp.abs(aw1 - gwT)
    d2T = jnp.abs(aw2 - gwT)
    b1T = d1T < d0T
    bdT = jnp.where(b1T, d1T, d0T)
    b2T = d2T < bdT
    bestT = jnp.where(b2T, 2, jnp.where(b1T, 1, 0)).astype(jnp.int32)
    cellT = (bestT * _H + gjT) * _T + giT

    ii = lax.broadcasted_iota(jnp.int32, (_N, _N), 0)
    jj = lax.broadcasted_iota(jnp.int32, (_N, _N), 1)
    for b in range(_B):
        col = cellT[:, b:b + 1]
        vcol = validT[:, b:b + 1]
        row = cell[b:b + 1, :]
        beaten = (col == row) & (ii > jj) & vcol
        dup = jnp.any(beaten, axis=0, keepdims=True)
        keep_ref[b:b + 1, :] = jnp.where(
            valid[b:b + 1, :] & jnp.logical_not(dup), 1.0, 0.0)

    b_iota = lax.broadcasted_iota(jnp.int32, (_B, _N), 0)
    intile = (((gj >> 3) * (_T // 128) + (gi >> 7)) * 8 + (gj & 7)) * 128 + (gi & 127)
    base = (b_iota * _C + best * 5) * (_H * _T) + intile
    for k in range(5):
        idx_ref[k * _B:(k + 1) * _B, :] = base + k * (_H * _T)
    idx_ref[5 * _B:6 * _B, :] = jnp.zeros((_B, _N), jnp.int32)


@functools.lru_cache(maxsize=None)
def _make_prep():
    return pl.pallas_call(
        _prep_body,
        in_specs=[
            pl.BlockSpec(memory_space=pltpu.SMEM),
            pl.BlockSpec(memory_space=pltpu.VMEM),
            pl.BlockSpec(memory_space=pltpu.VMEM),
        ],
        out_specs=(
            pl.BlockSpec(memory_space=pltpu.VMEM),
            pl.BlockSpec(memory_space=pltpu.VMEM),
            pl.BlockSpec(memory_space=pltpu.VMEM),
        ),
        out_shape=(
            jax.ShapeDtypeStruct((6 * _B, _N), jnp.int32),
            jax.ShapeDtypeStruct((4, _B, _N), jnp.float32),
            jax.ShapeDtypeStruct((_B, _N), jnp.float32),
        ),
    )


def _sc_gather_body(pred_hbm, idx_hbm, out_hbm, idx_v, rows_v, sem):
    wid = lax.axis_index("s")

    pltpu.sync_copy(idx_hbm.at[wid], idx_v)
    copies = [
        pltpu.async_copy(pred_hbm.at[idx_v.at[c]], rows_v.at[c], sem)
        for c in range(_WCHUNK)
    ]
    for cp in copies:
        cp.wait()
    pltpu.sync_copy(rows_v, out_hbm.at[wid])


@functools.lru_cache(maxsize=None)
def _make_sc_gather():
    mesh = plsc.VectorSubcoreMesh(core_axis_name="c", subcore_axis_name="s",
                                  num_cores=1)
    return functools.partial(
        pl.kernel,
        mesh=mesh,
        out_type=jax.ShapeDtypeStruct((_NW, _WCHUNK, _CHUNK), jnp.float32),
        scratch_types=[
            pltpu.VMEM((_WCHUNK, _CHUNK), jnp.int32),
            pltpu.VMEM((_WCHUNK, _CHUNK), jnp.float32),
            pltpu.SemaphoreType.DMA,
        ],
    )(_sc_gather_body)


def _dense_body(p0_ref, p1_ref, p2_ref, o_ref):
    i = pl.program_id(0)

    @pl.when(i == 0)
    def _():
        o_ref[0] = 0.0

    o_ref[0] += (jnp.sum(_softplus(p0_ref[...]))
                 + jnp.sum(_softplus(p1_ref[...]))
                 + jnp.sum(_softplus(p2_ref[...])))


@functools.lru_cache(maxsize=None)
def _make_dense():
    return pl.pallas_call(
        _dense_body,
        grid=(_B // 2,),
        in_specs=[
            pl.BlockSpec((2, 1, _H, _T), lambda i: (i, 4, 0, 0)),
            pl.BlockSpec((2, 1, _H, _T), lambda i: (i, 9, 0, 0)),
            pl.BlockSpec((2, 1, _H, _T), lambda i: (i, 14, 0, 0)),
        ],
        out_specs=pl.BlockSpec(memory_space=pltpu.SMEM),
        out_shape=jax.ShapeDtypeStruct((1,), jnp.float32),
    )


def _combine_body(s_ref, g_ref, tv_ref, keep_ref, o0_ref, o1_ref, o2_ref):
    keep = keep_ref[...]
    x = g_ref[0:16, :]
    y = g_ref[16:32, :]
    w = g_ref[32:48, :]
    h = g_ref[48:64, :]
    ob = g_ref[64:80, :]
    corr_obj = jnp.sum(keep * (_softplus(-ob) - _LN * _softplus(ob)))
    box = ((_sigmoid(x) - tv_ref[0]) ** 2 + (_sigmoid(y) - tv_ref[1]) ** 2
           + (w - tv_ref[2]) ** 2 + (h - tv_ref[3]) ** 2)
    loss_box = _LC * jnp.sum(keep * box)
    loss_obj = _LN * s_ref[0] + corr_obj
    o0_ref[...] = (loss_obj + loss_box) / _B
    o1_ref[...] = loss_obj / _B
    o2_ref[...] = loss_box / _B


@functools.lru_cache(maxsize=None)
def _make_combine():
    return pl.pallas_call(
        _combine_body,
        in_specs=[
            pl.BlockSpec(memory_space=pltpu.SMEM),
            pl.BlockSpec(memory_space=pltpu.VMEM),
            pl.BlockSpec(memory_space=pltpu.VMEM),
            pl.BlockSpec(memory_space=pltpu.VMEM),
        ],
        out_specs=(
            pl.BlockSpec(memory_space=pltpu.SMEM),
            pl.BlockSpec(memory_space=pltpu.SMEM),
            pl.BlockSpec(memory_space=pltpu.SMEM),
        ),
        out_shape=(
            jax.ShapeDtypeStruct((), jnp.float32),
            jax.ShapeDtypeStruct((), jnp.float32),
            jax.ShapeDtypeStruct((), jnp.float32),
        ),
    )


def kernel(predictions, targets, anchors):
    tgt = jnp.transpose(targets, (2, 0, 1))
    tgtt = jnp.transpose(targets, (2, 1, 0))
    idx, tvals, keep = _make_prep()(anchors, tgt, tgtt)
    idx_grp = idx.reshape(_NW, _WCHUNK, _CHUNK)
    pred_phys = predictions.reshape(_B, _C, _H // 8, 8, _T // 128, 128)
    pred_phys = pred_phys.transpose(0, 1, 2, 4, 3, 5).reshape(-1)
    gathered = _make_sc_gather()(pred_phys, idx_grp)
    gathered = gathered.reshape(_NW * _WCHUNK, _CHUNK)
    s = _make_dense()(predictions, predictions, predictions)
    return _make_combine()(s, gathered, tvals, keep)

# --- scband reference (transcript-rebuilt; emitter-appended) ---
"""Pipeline reference for scband-music-yololoss-80470507258191 (READ-ONLY COPY).

The authoritative reference and input builder live on the scoring server;
editing this copy changes nothing except your own understanding.
"""

import jax, jax.numpy as jnp
import numpy as np

NUM_ANCHORS = 3
LAMBDA_COORD = 5.0
LAMBDA_NOOBJ = 0.5


def setup_inputs(seed: int = 0) -> dict:
    key = jax.random.key(seed)
    k1, k2 = jax.random.split(key)
    predictions = jax.random.normal(k1, (16, 15, 64, 4096), dtype=jnp.float32)
    targets = jax.random.uniform(k2, (16, 128, 5), dtype=jnp.float32)
    anchors = jnp.array([[0.05, 0.0138], [0.1, 0.0138], [0.3, 0.0138]], dtype=jnp.float32)
    return {"predictions": predictions, "targets": targets, "anchors": anchors}


def _build_targets(targets, anchors, B, A, H, T):
    cls = targets[:, :, 0]
    gx = targets[:, :, 1]
    gy = targets[:, :, 2]
    gw = targets[:, :, 3]
    gh = targets[:, :, 4]
    valid = cls != -1.0
    # int(gx*T) truncation == floor for non-negative normalized coords
    gi = jnp.clip(jnp.floor(gx * T).astype(jnp.int32), 0, T - 1)
    gj = jnp.clip(jnp.floor(gy * H).astype(jnp.int32), 0, H - 1)
    anchor_ious = jnp.abs(anchors[None, None, :, 0] - gw[:, :, None])
    best_n = jnp.argmin(anchor_ious, axis=-1).astype(jnp.int32)
    b_idx = jnp.broadcast_to(jnp.arange(B, dtype=jnp.int32)[:, None], gi.shape)
    # route invalid targets out of bounds so their scatter updates are dropped
    gj_s = jnp.where(valid, gj, jnp.int32(H))

    obj_f = jnp.zeros((B, A, H, T), dtype=jnp.float32).at[b_idx, best_n, gj_s, gi].max(
        jnp.ones_like(gi, dtype=jnp.float32), mode="drop")
    obj_mask = obj_f > 0
    noobj_mask = jnp.logical_not(obj_mask)

    txv = gx * T - gi.astype(jnp.float32)
    tyv = gy * H - gj.astype(jnp.float32)
    tw_v = jnp.log(gw / anchors[best_n, 0] + 1e-16)
    th_v = jnp.log(gh / anchors[best_n, 1] + 1e-16)

    z = jnp.zeros((B, A, H, T), dtype=jnp.float32)
    tx = z.at[b_idx, best_n, gj_s, gi].set(txv, mode="drop")
    ty = z.at[b_idx, best_n, gj_s, gi].set(tyv, mode="drop")
    tw = z.at[b_idx, best_n, gj_s, gi].set(tw_v, mode="drop")
    th = z.at[b_idx, best_n, gj_s, gi].set(th_v, mode="drop")
    return obj_mask, noobj_mask, tx, ty, tw, th


def reference(predictions, targets, anchors):
    B, C, H, T = predictions.shape
    A = NUM_ANCHORS
    p = predictions.reshape(B, A, 5, H, T)
    pred_x = jax.nn.sigmoid(p[:, :, 0, :, :])
    pred_y = jax.nn.sigmoid(p[:, :, 1, :, :])
    pred_w = p[:, :, 2, :, :]
    pred_h = p[:, :, 3, :, :]
    pred_obj = p[:, :, 4, :, :]

    obj_mask, noobj_mask, tx, ty, tw, th = _build_targets(targets, anchors, B, A, H, T)
    objf = obj_mask.astype(jnp.float32)
    noobjf = noobj_mask.astype(jnp.float32)

    # BCEWithLogits: target=1 -> softplus(-x); target=0 -> softplus(x)
    loss_obj_real = jnp.sum(jax.nn.softplus(-pred_obj) * objf)
    loss_obj_fake = jnp.sum(jax.nn.softplus(pred_obj) * noobjf)
    loss_obj = loss_obj_real + LAMBDA_NOOBJ * loss_obj_fake

    loss_x = jnp.sum(((pred_x - tx) ** 2) * objf)
    loss_y = jnp.sum(((pred_y - ty) ** 2) * objf)
    loss_w = jnp.sum(((pred_w - tw) ** 2) * objf)
    loss_h = jnp.sum(((pred_h - th) ** 2) * objf)
    loss_box = LAMBDA_COORD * (loss_x + loss_y + loss_w + loss_h)

    total_loss = (loss_obj + loss_box) / B
    return (total_loss, loss_obj / B, loss_box / B)

if __name__ == "__main__":
    import jax
    _d = setup_inputs()
    print(jax.jit(kernel)(*tuple(_d.values())))

</pallas_src>

<mosaic_0001>
#map = affine_map<(d0, d1) -> (0)>
#map1 = affine_map<(d0, d1) -> (0, 0, 0)>
module attributes {stable_mosaic.version = 14 : i64} {
  func.func @_sc_gather_body(%arg0: i32, %arg1: i32, %arg2: memref<62914560xf32, #tpu.memory_space<hbm>>, %arg3: memref<16x6x128xi32, #tpu.memory_space<hbm>>, %arg4: memref<16x6x128xf32, #tpu.memory_space<hbm>>, %arg5: memref<6x128xi32, #tpu.memory_space<vmem>>, %arg6: memref<6x128xf32, #tpu.memory_space<vmem>>, %arg7: memref<!tpu.dma_semaphore, #tpu.memory_space<semaphore_mem>>) attributes {dimension_semantics = [#tpu.dimension_semantics<core_parallel>, #tpu.dimension_semantics<subcore_parallel>], iteration_bounds = array<i64: 1, 16>, scalar_prefetch = 0 : i64, scratch_operands = 3 : i64, tpu.core_type = #tpu.core_type<sc_vector_subcore>, window_params = [{transform_indices = #map}, {transform_indices = #map1}, {transform_indices = #map1}]} {
    "tpu.region"() ({
      %run_scoped3A = tpu.sem_alloc : memref<!tpu.dma_semaphore, #tpu.memory_space<semaphore_mem>>
      %dma_start3A_118 = arith.constant 0 : i32
      %dma_start3A_119 = arith.constant 0 : i32
      %dma_start3A_120 = tpu.memref_slice %arg3[%arg1, %dma_start3A_118, %dma_start3A_119] : memref<16x6x128xi32, #tpu.memory_space<hbm>> -> memref<1x6x128xi32, #tpu.memory_space<hbm>>
      %dma_start3A_121 = tpu.memref_squeeze %dma_start3A_120 : memref<1x6x128xi32, #tpu.memory_space<hbm>> -> memref<6x128xi32, #tpu.memory_space<hbm>>
      %dma_start3A_122 = arith.constant 0 : i32
      %dma_start3A_123 = arith.constant 0 : i32
      %dma_start3A_124 = tpu.memref_slice %arg3[%arg1, %dma_start3A_122, %dma_start3A_123] : memref<16x6x128xi32, #tpu.memory_space<hbm>> -> memref<1x6x128xi32, #tpu.memory_space<hbm>>
      %dma_start3A_125 = tpu.memref_squeeze %dma_start3A_124 : memref<1x6x128xi32, #tpu.memory_space<hbm>> -> memref<6x128xi32, #tpu.memory_space<hbm>>
      tpu.enqueue_dma source(%dma_start3A_125 : memref<6x128xi32, #tpu.memory_space<hbm>>) target(%arg5 : memref<6x128xi32, #tpu.memory_space<vmem>>) target_semaphore(%run_scoped3A : memref<!tpu.dma_semaphore, #tpu.memory_space<semaphore_mem>>)
      %dma_wait3A_126 = arith.constant 0 : i32
      %dma_wait3A_127 = arith.constant 0 : i32
      %dma_wait3A_128 = tpu.memref_slice %arg3[%arg1, %dma_wait3A_126, %dma_wait3A_127] : memref<16x6x128xi32, #tpu.memory_space<hbm>> -> memref<1x6x128xi32, #tpu.memory_space<hbm>>
      %dma_wait3A_129 = tpu.memref_squeeze %dma_wait3A_128 : memref<1x6x128xi32, #tpu.memory_space<hbm>> -> memref<6x128xi32, #tpu.memory_space<hbm>>
      %dma_wait3A_130 = arith.constant 0 : i32
      %dma_wait3A_131 = arith.constant 0 : i32
      %dma_wait3A_132 = tpu.memref_slice %arg3[%arg1, %dma_wait3A_130, %dma_wait3A_131] : memref<16x6x128xi32, #tpu.memory_space<hbm>> -> memref<1x6x128xi32, #tpu.memory_space<hbm>>
      %dma_wait3A_133 = tpu.memref_squeeze %dma_wait3A_132 : memref<1x6x128xi32, #tpu.memory_space<hbm>> -> memref<6x128xi32, #tpu.memory_space<hbm>>
      tpu.wait_dma2 semaphore(%run_scoped3A : memref<!tpu.dma_semaphore, #tpu.memory_space<semaphore_mem>>) src(%dma_wait3A_133 : memref<6x128xi32, #tpu.memory_space<hbm>>) dst(%arg5 : memref<6x128xi32, #tpu.memory_space<vmem>>)
      tpu.yield
    }) : () -> ()
    %dma_start3A = arith.constant 0 : i32
    %dma_start3A_0 = arith.constant 0 : i32
    %dma_start3A_1 = arith.constant 0 : i32
    %dma_start3A_2 = tpu.memref_slice %arg6[%dma_start3A_0, %dma_start3A_1] : memref<6x128xf32, #tpu.memory_space<vmem>> -> memref<1x128xf32, #tpu.memory_space<vmem>>
    %dma_start3A_3 = tpu.memref_squeeze %dma_start3A_2 : memref<1x128xf32, #tpu.memory_space<vmem>> -> memref<128xf32, #tpu.memory_space<vmem>>
    %dma_start3A_4 = arith.constant 0 : i32
    %dma_start3A_5 = tpu.memref_slice %arg5[%dma_start3A, %dma_start3A_4] : memref<6x128xi32, #tpu.memory_space<vmem>> -> memref<1x128xi32, #tpu.memory_space<vmem>>
    %dma_start3A_6 = tpu.memref_squeeze %dma_start3A_5 : memref<1x128xi32, #tpu.memory_space<vmem>> -> memref<128xi32, #tpu.memory_space<vmem>>
    %dma_start3A_7 = arith.constant 0 : i32
    %dma_start3A_8 = tpu.memref_slice %arg2[%dma_start3A_7] : memref<62914560xf32, #tpu.memory_space<hbm>> -> memref<62914560xf32, #tpu.memory_space<hbm>>
    tpu.enqueue_indirect_dma source(%dma_start3A_8 : memref<62914560xf32, #tpu.memory_space<hbm>>) target(%dma_start3A_3 : memref<128xf32, #tpu.memory_space<vmem>>) offsets(%dma_start3A_6 : memref<128xi32, #tpu.memory_space<vmem>>) semaphore(%arg7 : memref<!tpu.dma_semaphore, #tpu.memory_space<semaphore_mem>>)
    %dma_start3A_9 = arith.constant 1 : i32
    %dma_start3A_10 = arith.constant 1 : i32
    %dma_start3A_11 = arith.constant 0 : i32
    %dma_start3A_12 = tpu.memref_slice %arg6[%dma_start3A_10, %dma_start3A_11] : memref<6x128xf32, #tpu.memory_space<vmem>> -> memref<1x128xf32, #tpu.memory_space<vmem>>
    %dma_start3A_13 = tpu.memref_squeeze %dma_start3A_12 : memref<1x128xf32, #tpu.memory_space<vmem>> -> memref<128xf32, #tpu.memory_space<vmem>>
    %dma_start3A_14 = arith.constant 0 : i32
    %dma_start3A_15 = tpu.memref_slice %arg5[%dma_start3A_9, %dma_start3A_14] : memref<6x128xi32, #tpu.memory_space<vmem>> -> memref<1x128xi32, #tpu.memory_space<vmem>>
    %dma_start3A_16 = tpu.memref_squeeze %dma_start3A_15 : memref<1x128xi32, #tpu.memory_space<vmem>> -> memref<128xi32, #tpu.memory_space<vmem>>
    %dma_start3A_17 = arith.constant 0 : i32
    %dma_start3A_18 = tpu.memref_slice %arg2[%dma_start3A_17] : memref<62914560xf32, #tpu.memory_space<hbm>> -> memref<62914560xf32, #tpu.memory_space<hbm>>
    tpu.enqueue_indirect_dma source(%dma_start3A_18 : memref<62914560xf32, #tpu.memory_space<hbm>>) target(%dma_start3A_13 : memref<128xf32, #tpu.memory_space<vmem>>) offsets(%dma_start3A_16 : memref<128xi32, #tpu.memory_space<vmem>>) semaphore(%arg7 : memref<!tpu.dma_semaphore, #tpu.memory_space<semaphore_mem>>)
    %dma_start3A_19 = arith.constant 2 : i32
    %dma_start3A_20 = arith.constant 2 : i32
    %dma_start3A_21 = arith.constant 0 : i32
    %dma_start3A_22 = tpu.memref_slice %arg6[%dma_start3A_20, %dma_start3A_21] : memref<6x128xf32, #tpu.memory_space<vmem>> -> memref<1x128xf32, #tpu.memory_space<vmem>>
    %dma_start3A_23 = tpu.memref_squeeze %dma_start3A_22 : memref<1x128xf32, #tpu.memory_space<vmem>> -> memref<128xf32, #tpu.memory_space<vmem>>
    %dma_start3A_24 = arith.constant 0 : i32
    %dma_start3A_25 = tpu.memref_slice %arg5[%dma_start3A_19, %dma_start3A_24] : memref<6x128xi32, #tpu.memory_space<vmem>> -> memref<1x128xi32, #tpu.memory_space<vmem>>
    %dma_start3A_26 = tpu.memref_squeeze %dma_start3A_25 : memref<1x128xi32, #tpu.memory_space<vmem>> -> memref<128xi32, #tpu.memory_space<vmem>>
    %dma_start3A_27 = arith.constant 0 : i32
    %dma_start3A_28 = tpu.memref_slice %arg2[%dma_start3A_27] : memref<62914560xf32, #tpu.memory_space<hbm>> -> memref<62914560xf32, #tpu.memory_space<hbm>>
    tpu.enqueue_indirect_dma source(%dma_start3A_28 : memref<62914560xf32, #tpu.memory_space<hbm>>) target(%dma_start3A_23 : memref<128xf32, #tpu.memory_space<vmem>>) offsets(%dma_start3A_26 : memref<128xi32, #tpu.memory_space<vmem>>) semaphore(%arg7 : memref<!tpu.dma_semaphore, #tpu.memory_space<semaphore_mem>>)
    %dma_start3A_29 = arith.constant 3 : i32
    %dma_start3A_30 = arith.constant 3 : i32
    %dma_start3A_31 = arith.constant 0 : i32
    %dma_start3A_32 = tpu.memref_slice %arg6[%dma_start3A_30, %dma_start3A_31] : memref<6x128xf32, #tpu.memory_space<vmem>> -> memref<1x128xf32, #tpu.memory_space<vmem>>
    %dma_start3A_33 = tpu.memref_squeeze %dma_start3A_32 : memref<1x128xf32, #tpu.memory_space<vmem>> -> memref<128xf32, #tpu.memory_space<vmem>>
    %dma_start3A_34 = arith.constant 0 : i32
    %dma_start3A_35 = tpu.memref_slice %arg5[%dma_start3A_29, %dma_start3A_34] : memref<6x128xi32, #tpu.memory_space<vmem>> -> memref<1x128xi32, #tpu.memory_space<vmem>>
    %dma_start3A_36 = tpu.memref_squeeze %dma_start3A_35 : memref<1x128xi32, #tpu.memory_space<vmem>> -> memref<128xi32, #tpu.memory_space<vmem>>
    %dma_start3A_37 = arith.constant 0 : i32
    %dma_start3A_38 = tpu.memref_slice %arg2[%dma_start3A_37] : memref<62914560xf32, #tpu.memory_space<hbm>> -> memref<62914560xf32, #tpu.memory_space<hbm>>
    tpu.enqueue_indirect_dma source(%dma_start3A_38 : memref<62914560xf32, #tpu.memory_space<hbm>>) target(%dma_start3A_33 : memref<128xf32, #tpu.memory_space<vmem>>) offsets(%dma_start3A_36 : memref<128xi32, #tpu.memory_space<vmem>>) semaphore(%arg7 : memref<!tpu.dma_semaphore, #tpu.memory_space<semaphore_mem>>)
    %dma_start3A_39 = arith.constant 4 : i32
    %dma_start3A_40 = arith.constant 4 : i32
    %dma_start3A_41 = arith.constant 0 : i32
    %dma_start3A_42 = tpu.memref_slice %arg6[%dma_start3A_40, %dma_start3A_41] : memref<6x128xf32, #tpu.memory_space<vmem>> -> memref<1x128xf32, #tpu.memory_space<vmem>>
    %dma_start3A_43 = tpu.memref_squeeze %dma_start3A_42 : memref<1x128xf32, #tpu.memory_space<vmem>> -> memref<128xf32, #tpu.memory_space<vmem>>
    %dma_start3A_44 = arith.constant 0 : i32
    %dma_start3A_45 = tpu.memref_slice %arg5[%dma_start3A_39, %dma_start3A_44] : memref<6x128xi32, #tpu.memory_space<vmem>> -> memref<1x128xi32, #tpu.memory_space<vmem>>
    %dma_start3A_46 = tpu.memref_squeeze %dma_start3A_45 : memref<1x128xi32, #tpu.memory_space<vmem>> -> memref<128xi32, #tpu.memory_space<vmem>>
    %dma_start3A_47 = arith.constant 0 : i32
    %dma_start3A_48 = tpu.memref_slice %arg2[%dma_start3A_47] : memref<62914560xf32, #tpu.memory_space<hbm>> -> memref<62914560xf32, #tpu.memory_space<hbm>>
    tpu.enqueue_indirect_dma source(%dma_start3A_48 : memref<62914560xf32, #tpu.memory_space<hbm>>) target(%dma_start3A_43 : memref<128xf32, #tpu.memory_space<vmem>>) offsets(%dma_start3A_46 : memref<128xi32, #tpu.memory_space<vmem>>) semaphore(%arg7 : memref<!tpu.dma_semaphore, #tpu.memory_space<semaphore_mem>>)
    %dma_start3A_49 = arith.constant 5 : i32
    %dma_start3A_50 = arith.constant 5 : i32
    %dma_start3A_51 = arith.constant 0 : i32
    %dma_start3A_52 = tpu.memref_slice %arg6[%dma_start3A_50, %dma_start3A_51] : memref<6x128xf32, #tpu.memory_space<vmem>> -> memref<1x128xf32, #tpu.memory_space<vmem>>
    %dma_start3A_53 = tpu.memref_squeeze %dma_start3A_52 : memref<1x128xf32, #tpu.memory_space<vmem>> -> memref<128xf32, #tpu.memory_space<vmem>>
    %dma_start3A_54 = arith.constant 0 : i32
    %dma_start3A_55 = tpu.memref_slice %arg5[%dma_start3A_49, %dma_start3A_54] : memref<6x128xi32, #tpu.memory_space<vmem>> -> memref<1x128xi32, #tpu.memory_space<vmem>>
    %dma_start3A_56 = tpu.memref_squeeze %dma_start3A_55 : memref<1x128xi32, #tpu.memory_space<vmem>> -> memref<128xi32, #tpu.memory_space<vmem>>
    %dma_start3A_57 = arith.constant 0 : i32
    %dma_start3A_58 = tpu.memref_slice %arg2[%dma_start3A_57] : memref<62914560xf32, #tpu.memory_space<hbm>> -> memref<62914560xf32, #tpu.memory_space<hbm>>
    tpu.enqueue_indirect_dma source(%dma_start3A_58 : memref<62914560xf32, #tpu.memory_space<hbm>>) target(%dma_start3A_53 : memref<128xf32, #tpu.memory_space<vmem>>) offsets(%dma_start3A_56 : memref<128xi32, #tpu.memory_space<vmem>>) semaphore(%arg7 : memref<!tpu.dma_semaphore, #tpu.memory_space<semaphore_mem>>)
    %dma_wait3A = arith.constant 0 : i32
    %dma_wait3A_59 = arith.constant 0 : i32
    %dma_wait3A_60 = arith.constant 0 : i32
    %dma_wait3A_61 = tpu.memref_slice %arg6[%dma_wait3A_59, %dma_wait3A_60] : memref<6x128xf32, #tpu.memory_space<vmem>> -> memref<1x128xf32, #tpu.memory_space<vmem>>
    %dma_wait3A_62 = tpu.memref_squeeze %dma_wait3A_61 : memref<1x128xf32, #tpu.memory_space<vmem>> -> memref<128xf32, #tpu.memory_space<vmem>>
    %dma_wait3A_63 = arith.constant 0 : i32
    %dma_wait3A_64 = tpu.memref_slice %arg5[%dma_wait3A, %dma_wait3A_63] : memref<6x128xi32, #tpu.memory_space<vmem>> -> memref<1x128xi32, #tpu.memory_space<vmem>>
    %dma_wait3A_65 = tpu.memref_squeeze %dma_wait3A_64 : memref<1x128xi32, #tpu.memory_space<vmem>> -> memref<128xi32, #tpu.memory_space<vmem>>
    %dma_wait3A_66 = arith.constant 0 : i32
    %dma_wait3A_67 = tpu.memref_slice %arg2[%dma_wait3A_66] : memref<62914560xf32, #tpu.memory_space<hbm>> -> memref<62914560xf32, #tpu.memory_space<hbm>>
    tpu.wait_indirect_dma semaphore(%arg7 : memref<!tpu.dma_semaphore, #tpu.memory_space<semaphore_mem>>) src(%dma_wait3A_67 : memref<62914560xf32, #tpu.memory_space<hbm>>) dst(%dma_wait3A_62 : memref<128xf32, #tpu.memory_space<vmem>>)
    %dma_wait3A_68 = arith.constant 1 : i32
    %dma_wait3A_69 = arith.constant 1 : i32
    %dma_wait3A_70 = arith.constant 0 : i32
    %dma_wait3A_71 = tpu.memref_slice %arg6[%dma_wait3A_69, %dma_wait3A_70] : memref<6x128xf32, #tpu.memory_space<vmem>> -> memref<1x128xf32, #tpu.memory_space<vmem>>
    %dma_wait3A_72 = tpu.memref_squeeze %dma_wait3A_71 : memref<1x128xf32, #tpu.memory_space<vmem>> -> memref<128xf32, #tpu.memory_space<vmem>>
    %dma_wait3A_73 = arith.constant 0 : i32
    %dma_wait3A_74 = tpu.memref_slice %arg5[%dma_wait3A_68, %dma_wait3A_73] : memref<6x128xi32, #tpu.memory_space<vmem>> -> memref<1x128xi32, #tpu.memory_space<vmem>>
    %dma_wait3A_75 = tpu.memref_squeeze %dma_wait3A_74 : memref<1x128xi32, #tpu.memory_space<vmem>> -> memref<128xi32, #tpu.memory_space<vmem>>
    %dma_wait3A_76 = arith.constant 0 : i32
    %dma_wait3A_77 = tpu.memref_slice %arg2[%dma_wait3A_76] : memref<62914560xf32, #tpu.memory_space<hbm>> -> memref<62914560xf32, #tpu.memory_space<hbm>>
    tpu.wait_indirect_dma semaphore(%arg7 : memref<!tpu.dma_semaphore, #tpu.memory_space<semaphore_mem>>) src(%dma_wait3A_77 : memref<62914560xf32, #tpu.memory_space<hbm>>) dst(%dma_wait3A_72 : memref<128xf32, #tpu.memory_space<vmem>>)
    %dma_wait3A_78 = arith.constant 2 : i32
    %dma_wait3A_79 = arith.constant 2 : i32
    %dma_wait3A_80 = arith.constant 0 : i32
    %dma_wait3A_81 = tpu.memref_slice %arg6[%dma_wait3A_79, %dma_wait3A_80] : memref<6x128xf32, #tpu.memory_space<vmem>> -> memref<1x128xf32, #tpu.memory_space<vmem>>
    %dma_wait3A_82 = tpu.memref_squeeze %dma_wait3A_81 : memref<1x128xf32, #tpu.memory_space<vmem>> -> memref<128xf32, #tpu.memory_space<vmem>>
    %dma_wait3A_83 = arith.constant 0 : i32
    %dma_wait3A_84 = tpu.memref_slice %arg5[%dma_wait3A_78, %dma_wait3A_83] : memref<6x128xi32, #tpu.memory_space<vmem>> -> memref<1x128xi32, #tpu.memory_space<vmem>>
    %dma_wait3A_85 = tpu.memref_squeeze %dma_wait3A_84 : memref<1x128xi32, #tpu.memory_space<vmem>> -> memref<128xi32, #tpu.memory_space<vmem>>
    %dma_wait3A_86 = arith.constant 0 : i32
    %dma_wait3A_87 = tpu.memref_slice %arg2[%dma_wait3A_86] : memref<62914560xf32, #tpu.memory_space<hbm>> -> memref<62914560xf32, #tpu.memory_space<hbm>>
    tpu.wait_indirect_dma semaphore(%arg7 : memref<!tpu.dma_semaphore, #tpu.memory_space<semaphore_mem>>) src(%dma_wait3A_87 : memref<62914560xf32, #tpu.memory_space<hbm>>) dst(%dma_wait3A_82 : memref<128xf32, #tpu.memory_space<vmem>>)
    %dma_wait3A_88 = arith.constant 3 : i32
    %dma_wait3A_89 = arith.constant 3 : i32
    %dma_wait3A_90 = arith.constant 0 : i32
    %dma_wait3A_91 = tpu.memref_slice %arg6[%dma_wait3A_89, %dma_wait3A_90] : memref<6x128xf32, #tpu.memory_space<vmem>> -> memref<1x128xf32, #tpu.memory_space<vmem>>
    %dma_wait3A_92 = tpu.memref_squeeze %dma_wait3A_91 : memref<1x128xf32, #tpu.memory_space<vmem>> -> memref<128xf32, #tpu.memory_space<vmem>>
    %dma_wait3A_93 = arith.constant 0 : i32
    %dma_wait3A_94 = tpu.memref_slice %arg5[%dma_wait3A_88, %dma_wait3A_93] : memref<6x128xi32, #tpu.memory_space<vmem>> -> memref<1x128xi32, #tpu.memory_space<vmem>>
    %dma_wait3A_95 = tpu.memref_squeeze %dma_wait3A_94 : memref<1x128xi32, #tpu.memory_space<vmem>> -> memref<128xi32, #tpu.memory_space<vmem>>
    %dma_wait3A_96 = arith.constant 0 : i32
    %dma_wait3A_97 = tpu.memref_slice %arg2[%dma_wait3A_96] : memref<62914560xf32, #tpu.memory_space<hbm>> -> memref<62914560xf32, #tpu.memory_space<hbm>>
    tpu.wait_indirect_dma semaphore(%arg7 : memref<!tpu.dma_semaphore, #tpu.memory_space<semaphore_mem>>) src(%dma_wait3A_97 : memref<62914560xf32, #tpu.memory_space<hbm>>) dst(%dma_wait3A_92 : memref<128xf32, #tpu.memory_space<vmem>>)
    %dma_wait3A_98 = arith.constant 4 : i32
    %dma_wait3A_99 = arith.constant 4 : i32
    %dma_wait3A_100 = arith.constant 0 : i32
    %dma_wait3A_101 = tpu.memref_slice %arg6[%dma_wait3A_99, %dma_wait3A_100] : memref<6x128xf32, #tpu.memory_space<vmem>> -> memref<1x128xf32, #tpu.memory_space<vmem>>
    %dma_wait3A_102 = tpu.memref_squeeze %dma_wait3A_101 : memref<1x128xf32, #tpu.memory_space<vmem>> -> memref<128xf32, #tpu.memory_space<vmem>>
    %dma_wait3A_103 = arith.constant 0 : i32
    %dma_wait3A_104 = tpu.memref_slice %arg5[%dma_wait3A_98, %dma_wait3A_103] : memref<6x128xi32, #tpu.memory_space<vmem>> -> memref<1x128xi32, #tpu.memory_space<vmem>>
    %dma_wait3A_105 = tpu.memref_squeeze %dma_wait3A_104 : memref<1x128xi32, #tpu.memory_space<vmem>> -> memref<128xi32, #tpu.memory_space<vmem>>
    %dma_wait3A_106 = arith.constant 0 : i32
    %dma_wait3A_107 = tpu.memref_slice %arg2[%dma_wait3A_106] : memref<62914560xf32, #tpu.memory_space<hbm>> -> memref<62914560xf32, #tpu.memory_space<hbm>>
    tpu.wait_indirect_dma semaphore(%arg7 : memref<!tpu.dma_semaphore, #tpu.memory_space<semaphore_mem>>) src(%dma_wait3A_107 : memref<62914560xf32, #tpu.memory_space<hbm>>) dst(%dma_wait3A_102 : memref<128xf32, #tpu.memory_space<vmem>>)
    %dma_wait3A_108 = arith.constant 5 : i32
    %dma_wait3A_109 = arith.constant 5 : i32
    %dma_wait3A_110 = arith.constant 0 : i32
    %dma_wait3A_111 = tpu.memref_slice %arg6[%dma_wait3A_109, %dma_wait3A_110] : memref<6x128xf32, #tpu.memory_space<vmem>> -> memref<1x128xf32, #tpu.memory_space<vmem>>
    %dma_wait3A_112 = tpu.memref_squeeze %dma_wait3A_111 : memref<1x128xf32, #tpu.memory_space<vmem>> -> memref<128xf32, #tpu.memory_space<vmem>>
    %dma_wait3A_113 = arith.constant 0 : i32
    %dma_wait3A_114 = tpu.memref_slice %arg5[%dma_wait3A_108, %dma_wait3A_113] : memref<6x128xi32, #tpu.memory_space<vmem>> -> memref<1x128xi32, #tpu.memory_space<vmem>>
    %dma_wait3A_115 = tpu.memref_squeeze %dma_wait3A_114 : memref<1x128xi32, #tpu.memory_space<vmem>> -> memref<128xi32, #tpu.memory_space<vmem>>
    %dma_wait3A_116 = arith.constant 0 : i32
    %dma_wait3A_117 = tpu.memref_slice %arg2[%dma_wait3A_116] : memref<62914560xf32, #tpu.memory_space<hbm>> -> memref<62914560xf32, #tpu.memory_space<hbm>>
    tpu.wait_indirect_dma semaphore(%arg7 : memref<!tpu.dma_semaphore, #tpu.memory_space<semaphore_mem>>) src(%dma_wait3A_117 : memref<62914560xf32, #tpu.memory_space<hbm>>) dst(%dma_wait3A_112 : memref<128xf32, #tpu.memory_space<vmem>>)
    "tpu.region"() ({
      %run_scoped3A = tpu.sem_alloc : memref<!tpu.dma_semaphore, #tpu.memory_space<semaphore_mem>>
      %dma_start3A_118 = arith.constant 0 : i32
      %dma_start3A_119 = arith.constant 0 : i32
      %dma_start3A_120 = tpu.memref_slice %arg4[%arg1, %dma_start3A_118, %dma_start3A_119] : memref<16x6x128xf32, #tpu.memory_space<hbm>> -> memref<1x6x128xf32, #tpu.memory_space<hbm>>
      %dma_start3A_121 = tpu.memref_squeeze %dma_start3A_120 : memref<1x6x128xf32, #tpu.memory_space<hbm>> -> memref<6x128xf32, #tpu.memory_space<hbm>>
      %dma_start3A_122 = arith.constant 0 : i32
      %dma_start3A_123 = arith.constant 0 : i32
      %dma_start3A_124 = tpu.memref_slice %arg4[%arg1, %dma_start3A_122, %dma_start3A_123] : memref<16x6x128xf32, #tpu.memory_space<hbm>> -> memref<1x6x128xf32, #tpu.memory_space<hbm>>
      %dma_start3A_125 = tpu.memref_squeeze %dma_start3A_124 : memref<1x6x128xf32, #tpu.memory_space<hbm>> -> memref<6x128xf32, #tpu.memory_space<hbm>>
      tpu.enqueue_dma source(%arg6 : memref<6x128xf32, #tpu.memory_space<vmem>>) target(%dma_start3A_125 : memref<6x128xf32, #tpu.memory_space<hbm>>) target_semaphore(%run_scoped3A : memref<!tpu.dma_semaphore, #tpu.memory_space<semaphore_mem>>)
      %dma_wait3A_126 = arith.constant 0 : i32
      %dma_wait3A_127 = arith.constant 0 : i32
      %dma_wait3A_128 = tpu.memref_slice %arg4[%arg1, %dma_wait3A_126, %dma_wait3A_127] : memref<16x6x128xf32, #tpu.memory_space<hbm>> -> memref<1x6x128xf32, #tpu.memory_space<hbm>>
      %dma_wait3A_129 = tpu.memref_squeeze %dma_wait3A_128 : memref<1x6x128xf32, #tpu.memory_space<hbm>> -> memref<6x128xf32, #tpu.memory_space<hbm>>
      %dma_wait3A_130 = arith.constant 0 : i32
      %dma_wait3A_131 = arith.constant 0 : i32
      %dma_wait3A_132 = tpu.memref_slice %arg4[%arg1, %dma_wait3A_130, %dma_wait3A_131] : memref<16x6x128xf32, #tpu.memory_space<hbm>> -> memref<1x6x128xf32, #tpu.memory_space<hbm>>
      %dma_wait3A_133 = tpu.memref_squeeze %dma_wait3A_132 : memref<1x6x128xf32, #tpu.memory_space<hbm>> -> memref<6x128xf32, #tpu.memory_space<hbm>>
      tpu.wait_dma2 semaphore(%run_scoped3A : memref<!tpu.dma_semaphore, #tpu.memory_space<semaphore_mem>>) src(%arg6 : memref<6x128xf32, #tpu.memory_space<vmem>>) dst(%dma_wait3A_133 : memref<6x128xf32, #tpu.memory_space<hbm>>)
      tpu.yield
    }) : () -> ()
    return
  }
}

module attributes {stable_mosaic.version = 14 : i64} {
  func.func @_prep_body(%arg0: memref<3x2xf32, #tpu.memory_space<smem>>, %arg1: memref<5x16x128xf32, #tpu.memory_space<vmem>>, %arg2: memref<5x128x16xf32, #tpu.memory_space<vmem>>, %arg3: memref<96x128xi32, #tpu.memory_space<vmem>>, %arg4: memref<4x16x128xf32, #tpu.memory_space<vmem>>, %arg5: memref<16x128xf32, #tpu.memory_space<vmem>>) attributes {dimension_semantics = [], scalar_prefetch = 0 : i64, scratch_operands = 0 : i64, tpu.core_type = #tpu.core_type<tc>} {
    %get3A = arith.constant 0 : index
    %get3A_0 = arith.constant 0 : index
    %get3A_1 = arith.constant 0 : index
    %get3A_2 = vector.load %arg1[%get3A, %get3A_0, %get3A_1] : memref<5x16x128xf32, #tpu.memory_space<vmem>>, vector<1x16x128xf32>
    %get3A_3 = vector.shape_cast %get3A_2 : vector<1x16x128xf32> to vector<16x128xf32>
    %get3A_4 = arith.constant 1 : index
    %get3A_5 = arith.constant 0 : index
    %get3A_6 = arith.constant 0 : index
    %get3A_7 = vector.load %arg1[%get3A_4, %get3A_5, %get3A_6] : memref<5x16x128xf32, #tpu.memory_space<vmem>>, vector<1x16x128xf32>
    %get3A_8 = vector.shape_cast %get3A_7 : vector<1x16x128xf32> to vector<16x128xf32>
    %get3A_9 = arith.constant 2 : index
    %get3A_10 = arith.constant 0 : index
    %get3A_11 = arith.constant 0 : index
    %get3A_12 = vector.load %arg1[%get3A_9, %get3A_10, %get3A_11] : memref<5x16x128xf32, #tpu.memory_space<vmem>>, vector<1x16x128xf32>
    %get3A_13 = vector.shape_cast %get3A_12 : vector<1x16x128xf32> to vector<16x128xf32>
    %get3A_14 = arith.constant 3 : index
    %get3A_15 = arith.constant 0 : index
    %get3A_16 = arith.constant 0 : index
    %get3A_17 = vector.load %arg1[%get3A_14, %get3A_15, %get3A_16] : memref<5x16x128xf32, #tpu.memory_space<vmem>>, vector<1x16x128xf32>
    %get3A_18 = vector.shape_cast %get3A_17 : vector<1x16x128xf32> to vector<16x128xf32>
    %get3A_19 = arith.constant 4 : index
    %get3A_20 = arith.constant 0 : index
    %get3A_21 = arith.constant 0 : index
    %get3A_22 = vector.load %arg1[%get3A_19, %get3A_20, %get3A_21] : memref<5x16x128xf32, #tpu.memory_space<vmem>>, vector<1x16x128xf32>
    %get3A_23 = vector.shape_cast %get3A_22 : vector<1x16x128xf32> to vector<16x128xf32>
    %get3A_24 = arith.constant 0 : index
    %get3A_25 = arith.constant 0 : index
    %get3A_26 = memref.load %arg0[%get3A_24, %get3A_25] : memref<3x2xf32, #tpu.memory_space<smem>>
    %get3A_27 = arith.constant 1 : index
    %get3A_28 = arith.constant 0 : index
    %get3A_29 = memref.load %arg0[%get3A_27, %get3A_28] : memref<3x2xf32, #tpu.memory_space<smem>>
    %get3A_30 = arith.constant 2 : index
    %get3A_31 = arith.constant 0 : index
    %get3A_32 = memref.load %arg0[%get3A_30, %get3A_31] : memref<3x2xf32, #tpu.memory_space<smem>>
    %get3A_33 = arith.constant 0 : index
    %get3A_34 = arith.constant 1 : index
    %get3A_35 = memref.load %arg0[%get3A_33, %get3A_34] : memref<3x2xf32, #tpu.memory_space<smem>>
    %get3A_36 = arith.constant 1 : index
    %get3A_37 = arith.constant 1 : index
    %get3A_38 = memref.load %arg0[%get3A_36, %get3A_37] : memref<3x2xf32, #tpu.memory_space<smem>>
    %get3A_39 = arith.constant 2 : index
    %get3A_40 = arith.constant 1 : index
    %get3A_41 = memref.load %arg0[%get3A_39, %get3A_40] : memref<3x2xf32, #tpu.memory_space<smem>>
    %ne3A = arith.constant -1.000000e+00 : f32
    %ne3A_42 = vector.broadcast %ne3A : f32 to vector<16x128xf32>
    %ne3A_43 = arith.cmpf one, %get3A_3, %ne3A_42 : vector<16x128xf32>
    %mul3A = arith.constant 4.096000e+03 : f32
    %mul3A_44 = vector.broadcast %mul3A : f32 to vector<16x128xf32>
    %mul3A_45 = arith.mulf %get3A_8, %mul3A_44 : vector<16x128xf32>
    %floor3A = math.floor %mul3A_45 : vector<16x128xf32>
    %convert_element_type3A = arith.fptosi %floor3A : vector<16x128xf32> to vector<16x128xi32>
    %jit3A = arith.constant 0 : i32
    %jit3A_46 = arith.constant 4095 : i32
    %max3A = vector.broadcast %jit3A : i32 to vector<16x128xi32>
    %max3A_47 = arith.maxsi %max3A, %convert_element_type3A : vector<16x128xi32>
    %min3A = vector.broadcast %jit3A_46 : i32 to vector<16x128xi32>
    %min3A_48 = arith.minsi %min3A, %max3A_47 : vector<16x128xi32>
    %mul3A_49 = arith.constant 6.400000e+01 : f32
    %mul3A_50 = vector.broadcast %mul3A_49 : f32 to vector<16x128xf32>
    %mul3A_51 = arith.mulf %get3A_13, %mul3A_50 : vector<16x128xf32>
    %floor3A_52 = math.floor %mul3A_51 : vector<16x128xf32>
    %convert_element_type3A_53 = arith.fptosi %floor3A_52 : vector<16x128xf32> to vector<16x128xi32>
    %jit3A_54 = arith.constant 0 : i32
    %jit3A_55 = arith.constant 63 : i32
    %max3A_56 = vector.broadcast %jit3A_54 : i32 to vector<16x128xi32>
    %max3A_57 = arith.maxsi %max3A_56, %convert_element_type3A_53 : vector<16x128xi32>
    %min3A_58 = vector.broadcast %jit3A_55 : i32 to vector<16x128xi32>
    %min3A_59 = arith.minsi %min3A_58, %max3A_57 : vector<16x128xi32>
    %sub3A = vector.broadcast %get3A_26 : f32 to vector<16x128xf32>
    %sub3A_60 = arith.subf %sub3A, %get3A_18 : vector<16x128xf32>
    %abs3A = math.absf %sub3A_60 : vector<16x128xf32>
    %sub3A_61 = vector.broadcast %get3A_29 : f32 to vector<16x128xf32>
    %sub3A_62 = arith.subf %sub3A_61, %get3A_18 : vector<16x128xf32>
    %abs3A_63 = math.absf %sub3A_62 : vector<16x128xf32>
    %sub3A_64 = vector.broadcast %get3A_32 : f32 to vector<16x128xf32>
    %sub3A_65 = arith.subf %sub3A_64, %get3A_18 : vector<16x128xf32>
    %abs3A_66 = math.absf %sub3A_65 : vector<16x128xf32>
    %lt3A = arith.cmpf olt, %abs3A_63, %abs3A : vector<16x128xf32>
    %select_n3A = arith.select %lt3A, %abs3A_63, %abs3A : vector<16x128xi1>, vector<16x128xf32>
    %lt3A_67 = arith.cmpf olt, %abs3A_66, %select_n3A : vector<16x128xf32>
    %jit3A_68 = arith.constant 1 : i32
    %jit3A_69 = arith.constant 0 : i32
    %broadcast_in_dim3A = vector.broadcast %jit3A_68 : i32 to vector<16x128xi32>
    %broadcast_in_dim3A_70 = vector.broadcast %jit3A_69 : i32 to vector<16x128xi32>
    %select_n3A_71 = arith.select %lt3A, %broadcast_in_dim3A, %broadcast_in_dim3A_70 : vector<16x128xi1>, vector<16x128xi32>
    %jit3A_72 = arith.constant 2 : i32
    %broadcast_in_dim3A_73 = vector.broadcast %jit3A_72 : i32 to vector<16x128xi32>
    %select_n3A_74 = arith.select %lt3A_67, %broadcast_in_dim3A_73, %select_n3A_71 : vector<16x128xi1>, vector<16x128xi32>
    %broadcast_in_dim3A_75 = vector.broadcast %get3A_29 : f32 to vector<16x128xf32>
    %broadcast_in_dim3A_76 = vector.broadcast %get3A_26 : f32 to vector<16x128xf32>
    %select_n3A_77 = arith.select %lt3A, %broadcast_in_dim3A_75, %broadcast_in_dim3A_76 : vector<16x128xi1>, vector<16x128xf32>
    %broadcast_in_dim3A_78 = vector.broadcast %get3A_32 : f32 to vector<16x128xf32>
    %select_n3A_79 = arith.select %lt3A_67, %broadcast_in_dim3A_78, %select_n3A_77 : vector<16x128xi1>, vector<16x128xf32>
    %broadcast_in_dim3A_80 = vector.broadcast %get3A_38 : f32 to vector<16x128xf32>
    %broadcast_in_dim3A_81 = vector.broadcast %get3A_35 : f32 to vector<16x128xf32>
    %select_n3A_82 = arith.select %lt3A, %broadcast_in_dim3A_80, %broadcast_in_dim3A_81 : vector<16x128xi1>, vector<16x128xf32>
    %broadcast_in_dim3A_83 = vector.broadcast %get3A_41 : f32 to vector<16x128xf32>
    %select_n3A_84 = arith.select %lt3A_67, %broadcast_in_dim3A_83, %select_n3A_82 : vector<16x128xi1>, vector<16x128xf32>
    %mul3A_85 = arith.constant 4.096000e+03 : f32
    %mul3A_86 = vector.broadcast %mul3A_85 : f32 to vector<16x128xf32>
    %mul3A_87 = arith.mulf %get3A_8, %mul3A_86 : vector<16x128xf32>
    %convert_element_type3A_88 = arith.sitofp %min3A_48 : vector<16x128xi32> to vector<16x128xf32>
    %sub3A_89 = arith.subf %mul3A_87, %convert_element_type3A_88 : vector<16x128xf32>
    %swap3A = arith.constant 0 : index
    %swap3A_90 = arith.constant 0 : index
    %swap3A_91 = arith.constant 0 : index
    %swap3A_92 = vector.load %arg4[%swap3A, %swap3A_90, %swap3A_91] : memref<4x16x128xf32, #tpu.memory_space<vmem>>, vector<1x16x128xf32>
    %swap3A_93 = vector.shape_cast %swap3A_92 : vector<1x16x128xf32> to vector<16x128xf32>
    %swap3A_94 = vector.shape_cast %sub3A_89 : vector<16x128xf32> to vector<1x16x128xf32>
    tpu.vector_store %arg4[%swap3A, %swap3A_90, %swap3A_91], %swap3A_94 {strides = array<i32>} : memref<4x16x128xf32, #tpu.memory_space<vmem>>, vector<1x16x128xf32>,
    %mul3A_95 = arith.constant 6.400000e+01 : f32
    %mul3A_96 = vector.broadcast %mul3A_95 : f32 to vector<16x128xf32>
    %mul3A_97 = arith.mulf %get3A_13, %mul3A_96 : vector<16x128xf32>
    %convert_element_type3A_98 = arith.sitofp %min3A_59 : vector<16x128xi32> to vector<16x128xf32>
    %sub3A_99 = arith.subf %mul3A_97, %convert_element_type3A_98 : vector<16x128xf32>
    %swap3A_100 = arith.constant 1 : index
    %swap3A_101 = arith.constant 0 : index
    %swap3A_102 = arith.constant 0 : index
    %swap3A_103 = vector.load %arg4[%swap3A_100, %swap3A_101, %swap3A_102] : memref<4x16x128xf32, #tpu.memory_space<vmem>>, vector<1x16x128xf32>
    %swap3A_104 = vector.shape_cast %swap3A_103 : vector<1x16x128xf32> to vector<16x128xf32>
    %swap3A_105 = vector.shape_cast %sub3A_99 : vector<16x128xf32> to vector<1x16x128xf32>
    tpu.vector_store %arg4[%swap3A_100, %swap3A_101, %swap3A_102], %swap3A_105 {strides = array<i32>} : memref<4x16x128xf32, #tpu.memory_space<vmem>>, vector<1x16x128xf32>,
    %div3A = arith.divf %get3A_18, %select_n3A_79 : vector<16x128xf32>
    %add3A = arith.constant 1.000000e-16 : f32
    %add3A_106 = vector.broadcast %add3A : f32 to vector<16x128xf32>
    %add3A_107 = arith.addf %div3A, %add3A_106 : vector<16x128xf32>
    %log3A = math.log %add3A_107 : vector<16x128xf32>
    %swap3A_108 = arith.constant 2 : index
    %swap3A_109 = arith.constant 0 : index
    %swap3A_110 = arith.constant 0 : index
    %swap3A_111 = vector.load %arg4[%swap3A_108, %swap3A_109, %swap3A_110] : memref<4x16x128xf32, #tpu.memory_space<vmem>>, vector<1x16x128xf32>
    %swap3A_112 = vector.shape_cast %swap3A_111 : vector<1x16x128xf32> to vector<16x128xf32>
    %swap3A_113 = vector.shape_cast %log3A : vector<16x128xf32> to vector<1x16x128xf32>
    tpu.vector_store %arg4[%swap3A_108, %swap3A_109, %swap3A_110], %swap3A_113 {strides = array<i32>} : memref<4x16x128xf32, #tpu.memory_space<vmem>>, vector<1x16x128xf32>,
    %div3A_114 = arith.divf %get3A_23, %select_n3A_84 : vector<16x128xf32>
    %add3A_115 = arith.constant 1.000000e-16 : f32
    %add3A_116 = vector.broadcast %add3A_115 : f32 to vector<16x128xf32>
    %add3A_117 = arith.addf %div3A_114, %add3A_116 : vector<16x128xf32>
    %log3A_118 = math.log %add3A_117 : vector<16x128xf32>
    %swap3A_119 = arith.constant 3 : index
    %swap3A_120 = arith.constant 0 : index
    %swap3A_121 = arith.constant 0 : index
    %swap3A_122 = vector.load %arg4[%swap3A_119, %swap3A_120, %swap3A_121] : memref<4x16x128xf32, #tpu.memory_space<vmem>>, vector<1x16x128xf32>
    %swap3A_123 = vector.shape_cast %swap3A_122 : vector<1x16x128xf32> to vector<16x128xf32>
    %swap3A_124 = vector.shape_cast %log3A_118 : vector<16x128xf32> to vector<1x16x128xf32>
    tpu.vector_store %arg4[%swap3A_119, %swap3A_120, %swap3A_121], %swap3A_124 {strides = array<i32>} : memref<4x16x128xf32, #tpu.memory_space<vmem>>, vector<1x16x128xf32>,
    %mul3A_125 = arith.constant 64 : i32
    %mul3A_126 = vector.broadcast %mul3A_125 : i32 to vector<16x128xi32>
    %mul3A_127 = arith.muli %select_n3A_74, %mul3A_126 : vector<16x128xi32>
    %add3A_128 = arith.addi %mul3A_127, %min3A_59 : vector<16x128xi32>
    %mul3A_129 = arith.constant 4096 : i32
    %mul3A_130 = vector.broadcast %mul3A_129 : i32 to vector<16x128xi32>
    %mul3A_131 = arith.muli %add3A_128, %mul3A_130 : vector<16x128xi32>
    %add3A_132 = arith.addi %mul3A_131, %min3A_48 : vector<16x128xi32>
    %get3A_133 = arith.constant 0 : index
    %get3A_134 = arith.constant 0 : index
    %get3A_135 = arith.constant 0 : index
    %get3A_136 = vector.load %arg2[%get3A_133, %get3A_134, %get3A_135] : memref<5x128x16xf32, #tpu.memory_space<vmem>>, vector<1x128x16xf32>
    %get3A_137 = vector.shape_cast %get3A_136 : vector<1x128x16xf32> to vector<128x16xf32>
    %get3A_138 = arith.constant 1 : index
    %get3A_139 = arith.constant 0 : index
    %get3A_140 = arith.constant 0 : index
    %get3A_141 = vector.load %arg2[%get3A_138, %get3A_139, %get3A_140] : memref<5x128x16xf32, #tpu.memory_space<vmem>>, vector<1x128x16xf32>
    %get3A_142 = vector.shape_cast %get3A_141 : vector<1x128x16xf32> to vector<128x16xf32>
    %get3A_143 = arith.constant 2 : index
    %get3A_144 = arith.constant 0 : index
    %get3A_145 = arith.constant 0 : index
    %get3A_146 = vector.load %arg2[%get3A_143, %get3A_144, %get3A_145] : memref<5x128x16xf32, #tpu.memory_space<vmem>>, vector<1x128x16xf32>
    %get3A_147 = vector.shape_cast %get3A_146 : vector<1x128x16xf32> to vector<128x16xf32>
    %get3A_148 = arith.constant 3 : index
    %get3A_149 = arith.constant 0 : index
    %get3A_150 = arith.constant 0 : index
    %get3A_151 = vector.load %arg2[%get3A_148, %get3A_149, %get3A_150] : memref<5x128x16xf32, #tpu.memory_space<vmem>>, vector<1x128x16xf32>
    %get3A_152 = vector.shape_cast %get3A_151 : vector<1x128x16xf32> to vector<128x16xf32>
    %ne3A_153 = arith.constant -1.000000e+00 : f32
    %ne3A_154 = vector.broadcast %ne3A_153 : f32 to vector<128x16xf32>
    %ne3A_155 = arith.cmpf one, %get3A_137, %ne3A_154 : vector<128x16xf32>
    %mul3A_156 = arith.constant 4.096000e+03 : f32
    %mul3A_157 = vector.broadcast %mul3A_156 : f32 to vector<128x16xf32>
    %mul3A_158 = arith.mulf %get3A_142, %mul3A_157 : vector<128x16xf32>
    %floor3A_159 = math.floor %mul3A_158 : vector<128x16xf32>
    %convert_element_type3A_160 = arith.fptosi %floor3A_159 : vector<128x16xf32> to vector<128x16xi32>
    %jit3A_161 = arith.constant 0 : i32
    %jit3A_162 = arith.constant 4095 : i32
    %max3A_163 = vector.broadcast %jit3A_161 : i32 to vector<128x16xi32>
    %max3A_164 = arith.maxsi %max3A_163, %convert_element_type3A_160 : vector<128x16xi32>
    %min3A_165 = vector.broadcast %jit3A_162 : i32 to vector<128x16xi32>
    %min3A_166 = arith.minsi %min3A_165, %max3A_164 : vector<128x16xi32>
    %mul3A_167 = arith.constant 6.400000e+01 : f32
    %mul3A_168 = vector.broadcast %mul3A_167 : f32 to vector<128x16xf32>
    %mul3A_169 = arith.mulf %get3A_147, %mul3A_168 : vector<128x16xf32>
    %floor3A_170 = math.floor %mul3A_169 : vector<128x16xf32>
    %convert_element_type3A_171 = arith.fptosi %floor3A_170 : vector<128x16xf32> to vector<128x16xi32>
    %jit3A_172 = arith.constant 0 : i32
    %jit3A_173 = arith.constant 63 : i32
    %max3A_174 = vector.broadcast %jit3A_172 : i32 to vector<128x16xi32>
    %max3A_175 = arith.maxsi %max3A_174, %convert_element_type3A_171 : vector<128x16xi32>
    %min3A_176 = vector.broadcast %jit3A_173 : i32 to vector<128x16xi32>
    %min3A_177 = arith.minsi %min3A_176, %max3A_175 : vector<128x16xi32>
    %sub3A_178 = vector.broadcast %get3A_26 : f32 to vector<128x16xf32>
    %sub3A_179 = arith.subf %sub3A_178, %get3A_152 : vector<128x16xf32>
    %abs3A_180 = math.absf %sub3A_179 : vector<128x16xf32>
    %sub3A_181 = vector.broadcast %get3A_29 : f32 to vector<128x16xf32>
    %sub3A_182 = arith.subf %sub3A_181, %get3A_152 : vector<128x16xf32>
    %abs3A_183 = math.absf %sub3A_182 : vector<128x16xf32>
    %sub3A_184 = vector.broadcast %get3A_32 : f32 to vector<128x16xf32>
    %sub3A_185 = arith.subf %sub3A_184, %get3A_152 : vector<128x16xf32>
    %abs3A_186 = math.absf %sub3A_185 : vector<128x16xf32>
    %lt3A_187 = arith.cmpf olt, %abs3A_183, %abs3A_180 : vector<128x16xf32>
    %select_n3A_188 = arith.select %lt3A_187, %abs3A_183, %abs3A_180 : vector<128x16xi1>, vector<128x16xf32>
    %lt3A_189 = arith.cmpf olt, %abs3A_186, %select_n3A_188 : vector<128x16xf32>
    %jit3A_190 = arith.constant 1 : i32
    %jit3A_191 = arith.constant 0 : i32
    %broadcast_in_dim3A_192 = vector.broadcast %jit3A_190 : i32 to vector<128x16xi32>
    %broadcast_in_dim3A_193 = vector.broadcast %jit3A_191 : i32 to vector<128x16xi32>
    %select_n3A_194 = arith.select %lt3A_187, %broadcast_in_dim3A_192, %broadcast_in_dim3A_193 : vector<128x16xi1>, vector<128x16xi32>
    %jit3A_195 = arith.constant 2 : i32
    %broadcast_in_dim3A_196 = vector.broadcast %jit3A_195 : i32 to vector<128x16xi32>
    %select_n3A_197 = arith.select %lt3A_189, %broadcast_in_dim3A_196, %select_n3A_194 : vector<128x16xi1>, vector<128x16xi32>
    %mul3A_198 = arith.constant 64 : i32
    %mul3A_199 = vector.broadcast %mul3A_198 : i32 to vector<128x16xi32>
    %mul3A_200 = arith.muli %select_n3A_197, %mul3A_199 : vector<128x16xi32>
    %add3A_201 = arith.addi %mul3A_200, %min3A_177 : vector<128x16xi32>
    %mul3A_202 = arith.constant 4096 : i32
    %mul3A_203 = vector.broadcast %mul3A_202 : i32 to vector<128x16xi32>
    %mul3A_204 = arith.muli %add3A_201, %mul3A_203 : vector<128x16xi32>
    %add3A_205 = arith.addi %mul3A_204, %min3A_166 : vector<128x16xi32>
    %iota3A = tpu.iota {dimensions = array<i32: 0>} : vector<128x128xi32>
    %iota3A_206 = tpu.iota {dimensions = array<i32: 1>} : vector<128x128xi32>
    %slice3A = vector.extract_strided_slice %add3A_205 {offsets = [0, 0], sizes = [128, 1], strides = [1, 1]} : vector<128x16xi32> to vector<128x1xi32>
    %slice3A_207 = vector.extract_strided_slice %ne3A_155 {offsets = [0, 0], sizes = [128, 1], strides = [1, 1]} : vector<128x16xi1> to vector<128x1xi1>
    %slice3A_208 = vector.extract_strided_slice %add3A_132 {offsets = [0, 0], sizes = [1, 128], strides = [1, 1]} : vector<16x128xi32> to vector<1x128xi32>
    %eq3A = vector.broadcast %slice3A : vector<128x1xi32> to vector<128x128xi32>
    %eq3A_209 = vector.broadcast %slice3A_208 : vector<1x128xi32> to vector<128x128xi32>
    %eq3A_210 = arith.cmpi eq, %eq3A, %eq3A_209 : vector<128x128xi32>
    %gt3A = arith.cmpi sgt, %iota3A, %iota3A_206 : vector<128x128xi32>
    %and3A = arith.andi %eq3A_210, %gt3A : vector<128x128xi1>
    %and3A_211 = vector.broadcast %slice3A_207 : vector<128x1xi1> to vector<128x128xi1>
    %and3A_212 = arith.andi %and3A, %and3A_211 : vector<128x128xi1>
    %reduce_or3A = arith.constant 1.000000e+00 : f32
    %reduce_or3A_213 = arith.constant 0.000000e+00 : f32
    %reduce_or3A_214 = vector.broadcast %reduce_or3A : f32 to vector<128x128xf32>
    %reduce_or3A_215 = vector.broadcast %reduce_or3A_213 : f32 to vector<128x128xf32>
    %reduce_or3A_216 = arith.select %and3A_212, %reduce_or3A_214, %reduce_or3A_215 : vector<128x128xi1>, vector<128x128xf32>
    %reduce_or3A_217 = arith.constant dense<0xFF800000> : vector<128xf32>
    %reduce_or3A_218 = vector.multi_reduction <maximumf>, %reduce_or3A_216, %reduce_or3A_217 [0] : vector<128x128xf32> to vector<128xf32>
    %reduce_or3A_219 = arith.constant 0.000000e+00 : f32
    %reduce_or3A_220 = vector.broadcast %reduce_or3A_219 : f32 to vector<128xf32>
    %reduce_or3A_221 = arith.cmpf ogt, %reduce_or3A_218, %reduce_or3A_220 : vector<128xf32>
    %broadcast_in_dim3A_222 = vector.shape_cast %reduce_or3A_221 : vector<128xi1> to vector<1x128xi1>
    %slice3A_223 = vector.extract_strided_slice %ne3A_43 {offsets = [0, 0], sizes = [1, 128], strides = [1, 1]} : vector<16x128xi1> to vector<1x128xi1>
    %not3A = arith.constant dense<true> : vector<1x128xi1>
    %not3A_224 = arith.xori %broadcast_in_dim3A_222, %not3A : vector<1x128xi1>
    %and3A_225 = arith.andi %slice3A_223, %not3A_224 : vector<1x128xi1>
    %jit3A_226 = arith.constant 1.000000e+00 : f32
    %jit3A_227 = arith.constant 0.000000e+00 : f32
    %broadcast_in_dim3A_228 = vector.broadcast %jit3A_226 : f32 to vector<1x128xf32>
    %broadcast_in_dim3A_229 = vector.broadcast %jit3A_227 : f32 to vector<1x128xf32>
    %select_n3A_230 = arith.select %and3A_225, %broadcast_in_dim3A_228, %broadcast_in_dim3A_229 : vector<1x128xi1>, vector<1x128xf32>
    %swap3A_231 = arith.constant 0 : index
    %swap3A_232 = arith.constant 0 : index
    %swap3A_233 = vector.load %arg5[%swap3A_231, %swap3A_232] : memref<16x128xf32, #tpu.memory_space<vmem>>, vector<1x128xf32>
    tpu.vector_store %arg5[%swap3A_231, %swap3A_232], %select_n3A_230 {strides = array<i32>} : memref<16x128xf32, #tpu.memory_space<vmem>>, vector<1x128xf32>,
    %slice3A_234 = vector.extract_strided_slice %add3A_205 {offsets = [0, 1], sizes = [128, 1], strides = [1, 1]} : vector<128x16xi32> to vector<128x1xi32>
    %slice3A_235 = vector.extract_strided_slice %ne3A_155 {offsets = [0, 1], sizes = [128, 1], strides = [1, 1]} : vector<128x16xi1> to vector<128x1xi1>
    %slice3A_236 = vector.extract_strided_slice %add3A_132 {offsets = [1, 0], sizes = [1, 128], strides = [1, 1]} : vector<16x128xi32> to vector<1x128xi32>
    %eq3A_237 = vector.broadcast %slice3A_234 : vector<128x1xi32> to vector<128x128xi32>
    %eq3A_238 = vector.broadcast %slice3A_236 : vector<1x128xi32> to vector<128x128xi32>
    %eq3A_239 = arith.cmpi eq, %eq3A_237, %eq3A_238 : vector<128x128xi32>
    %gt3A_240 = arith.cmpi sgt, %iota3A, %iota3A_206 : vector<128x128xi32>
    %and3A_241 = arith.andi %eq3A_239, %gt3A_240 : vector<128x128xi1>
    %and3A_242 = vector.broadcast %slice3A_235 : vector<128x1xi1> to vector<128x128xi1>
    %and3A_243 = arith.andi %and3A_241, %and3A_242 : vector<128x128xi1>
    %reduce_or3A_244 = arith.constant 1.000000e+00 : f32
    %reduce_or3A_245 = arith.constant 0.000000e+00 : f32
    %reduce_or3A_246 = vector.broadcast %reduce_or3A_244 : f32 to vector<128x128xf32>
    %reduce_or3A_247 = vector.broadcast %reduce_or3A_245 : f32 to vector<128x128xf32>
    %reduce_or3A_248 = arith.select %and3A_243, %reduce_or3A_246, %reduce_or3A_247 : vector<128x128xi1>, vector<128x128xf32>
    %reduce_or3A_249 = arith.constant dense<0xFF800000> : vector<128xf32>
    %reduce_or3A_250 = vector.multi_reduction <maximumf>, %reduce_or3A_248, %reduce_or3A_249 [0] : vector<128x128xf32> to vector<128xf32>
    %reduce_or3A_251 = arith.constant 0.000000e+00 : f32
    %reduce_or3A_252 = vector.broadcast %reduce_or3A_251 : f32 to vector<128xf32>
    %reduce_or3A_253 = arith.cmpf ogt, %reduce_or3A_250, %reduce_or3A_252 : vector<128xf32>
    %broadcast_in_dim3A_254 = vector.shape_cast %reduce_or3A_253 : vector<128xi1> to vector<1x128xi1>
    %slice3A_255 = vector.extract_strided_slice %ne3A_43 {offsets = [1, 0], sizes = [1, 128], strides = [1, 1]} : vector<16x128xi1> to vector<1x128xi1>
    %not3A_256 = arith.constant dense<true> : vector<1x128xi1>
    %not3A_257 = arith.xori %broadcast_in_dim3A_254, %not3A_256 : vector<1x128xi1>
    %and3A_258 = arith.andi %slice3A_255, %not3A_257 : vector<1x128xi1>
    %jit3A_259 = arith.constant 1.000000e+00 : f32
    %jit3A_260 = arith.constant 0.000000e+00 : f32
    %broadcast_in_dim3A_261 = vector.broadcast %jit3A_259 : f32 to vector<1x128xf32>
    %broadcast_in_dim3A_262 = vector.broadcast %jit3A_260 : f32 to vector<1x128xf32>
    %select_n3A_263 = arith.select %and3A_258, %broadcast_in_dim3A_261, %broadcast_in_dim3A_262 : vector<1x128xi1>, vector<1x128xf32>
    %swap3A_264 = arith.constant 1 : index
    %swap3A_265 = arith.constant 0 : index
    %swap3A_266 = vector.load %arg5[%swap3A_264, %swap3A_265] : memref<16x128xf32, #tpu.memory_space<vmem>>, vector<1x128xf32>
    tpu.vector_store %arg5[%swap3A_264, %swap3A_265], %select_n3A_263 {strides = array<i32>} : memref<16x128xf32, #tpu.memory_space<vmem>>, vector<1x128xf32>,
    %slice3A_267 = vector.extract_strided_slice %add3A_205 {offsets = [0, 2], sizes = [128, 1], strides = [1, 1]} : vector<128x16xi32> to vector<128x1xi32>
    %slice3A_268 = vector.extract_strided_slice %ne3A_155 {offsets = [0, 2], sizes = [128, 1], strides = [1, 1]} : vector<128x16xi1> to vector<128x1xi1>
    %slice3A_269 = vector.extract_strided_slice %add3A_132 {offsets = [2, 0], sizes = [1, 128], strides = [1, 1]} : vector<16x128xi32> to vector<1x128xi32>
    %eq3A_270 = vector.broadcast %slice3A_267 : vector<128x1xi32> to vector<128x128xi32>
    %eq3A_271 = vector.broadcast %slice3A_269 : vector<1x128xi32> to vector<128x128xi32>
    %eq3A_272 = arith.cmpi eq, %eq3A_270, %eq3A_271 : vector<128x128xi32>
    %gt3A_273 = arith.cmpi sgt, %iota3A, %iota3A_206 : vector<128x128xi32>
    %and3A_274 = arith.andi %eq3A_272, %gt3A_273 : vector<128x128xi1>
    %and3A_275 = vector.broadcast %slice3A_268 : vector<128x1xi1> to vector<128x128xi1>
    %and3A_276 = arith.andi %and3A_274, %and3A_275 : vector<128x128xi1>
    %reduce_or3A_277 = arith.constant 1.000000e+00 : f32
    %reduce_or3A_278 = arith.constant 0.000000e+00 : f32
    %reduce_or3A_279 = vector.broadcast %reduce_or3A_277 : f32 to vector<128x128xf32>
    %reduce_or3A_280 = vector.broadcast %reduce_or3A_278 : f32 to vector<128x128xf32>
    %reduce_or3A_281 = arith.select %and3A_276, %reduce_or3A_279, %reduce_or3A_280 : vector<128x128xi1>, vector<128x128xf32>
    %reduce_or3A_282 = arith.constant dense<0xFF800000> : vector<128xf32>
    %reduce_or3A_283 = vector.multi_reduction <maximumf>, %reduce_or3A_281, %reduce_or3A_282 [0] : vector<128x128xf32> to vector<128xf32>
    %reduce_or3A_284 = arith.constant 0.000000e+00 : f32
    %reduce_or3A_285 = vector.broadcast %reduce_or3A_284 : f32 to vector<128xf32>
    %reduce_or3A_286 = arith.cmpf ogt, %reduce_or3A_283, %reduce_or3A_285 : vector<128xf32>
    %broadcast_in_dim3A_287 = vector.shape_cast %reduce_or3A_286 : vector<128xi1> to vector<1x128xi1>
    %slice3A_288 = vector.extract_strided_slice %ne3A_43 {offsets = [2, 0], sizes = [1, 128], strides = [1, 1]} : vector<16x128xi1> to vector<1x128xi1>
    %not3A_289 = arith.constant dense<true> : vector<1x128xi1>
    %not3A_290 = arith.xori %broadcast_in_dim3A_287, %not3A_289 : vector<1x128xi1>
    %and3A_291 = arith.andi %slice3A_288, %not3A_290 : vector<1x128xi1>
    %jit3A_292 = arith.constant 1.000000e+00 : f32
    %jit3A_293 = arith.constant 0.000000e+00 : f32
    %broadcast_in_dim3A_294 = vector.broadcast %jit3A_292 : f32 to vector<1x128xf32>
    %broadcast_in_dim3A_295 = vector.broadcast %jit3A_293 : f32 to vector<1x128xf32>
    %select_n3A_296 = arith.select %and3A_291, %broadcast_in_dim3A_294, %broadcast_in_dim3A_295 : vector<1x128xi1>, vector<1x128xf32>
    %swap3A_297 = arith.constant 2 : index
    %swap3A_298 = arith.constant 0 : index
    %swap3A_299 = vector.load %arg5[%swap3A_297, %swap3A_298] : memref<16x128xf32, #tpu.memory_space<vmem>>, vector<1x128xf32>
    tpu.vector_store %arg5[%swap3A_297, %swap3A_298], %select_n3A_296 {strides = array<i32>} : memref<16x128xf32, #tpu.memory_space<vmem>>, vector<1x128xf32>,
    %slice3A_300 = vector.extract_strided_slice %add3A_205 {offsets = [0, 3], sizes = [128, 1], strides = [1, 1]} : vector<128x16xi32> to vector<128x1xi32>
    %slice3A_301 = vector.extract_strided_slice %ne3A_155 {offsets = [0, 3], sizes = [128, 1], strides = [1, 1]} : vector<128x16xi1> to vector<128x1xi1>
    %slice3A_302 = vector.extract_strided_slice %add3A_132 {offsets = [3, 0], sizes = [1, 128], strides = [1, 1]} : vector<16x128xi32> to vector<1x128xi32>
    %eq3A_303 = vector.broadcast %slice3A_300 : vector<128x1xi32> to vector<128x128xi32>
    %eq3A_304 = vector.broadcast %slice3A_302 : vector<1x128xi32> to vector<128x128xi32>
    %eq3A_305 = arith.cmpi eq, %eq3A_303, %eq3A_304 : vector<128x128xi32>
    %gt3A_306 = arith.cmpi sgt, %iota3A, %iota3A_206 : vector<128x128xi32>
    %and3A_307 = arith.andi %eq3A_305, %gt3A_306 : vector<128x128xi1>
    %and3A_308 = vector.broadcast %slice3A_301 : vector<128x1xi1> to vector<128x128xi1>
    %and3A_309 = arith.andi %and3A_307, %and3A_308 : vector<128x128xi1>
    %reduce_or3A_310 = arith.constant 1.000000e+00 : f32
    %reduce_or3A_311 = arith.constant 0.000000e+00 : f32
    %reduce_or3A_312 = vector.broadcast %reduce_or3A_310 : f32 to vector<128x128xf32>
    %reduce_or3A_313 = vector.broadcast %reduce_or3A_311 : f32 to vector<128x128xf32>
    %reduce_or3A_314 = arith.select %and3A_309, %reduce_or3A_312, %reduce_or3A_313 : vector<128x128xi1>, vector<128x128xf32>
    %reduce_or3A_315 = arith.constant dense<0xFF800000> : vector<128xf32>
    %reduce_or3A_316 = vector.multi_reduction <maximumf>, %reduce_or3A_314, %reduce_or3A_315 [0] : vector<128x128xf32> to vector<128xf32>
    %reduce_or3A_317 = arith.constant 0.000000e+00 : f32
    %reduce_or3A_318 = vector.broadcast %reduce_or3A_317 : f32 to vector<128xf32>
    %reduce_or3A_319 = arith.cmpf ogt, %reduce_or3A_316, %reduce_or3A_318 : vector<128xf32>
    %broadcast_in_dim3A_320 = vector.shape_cast %reduce_or3A_319 : vector<128xi1> to vector<1x128xi1>
    %slice3A_321 = vector.extract_strided_slice %ne3A_43 {offsets = [3, 0], sizes = [1, 128], strides = [1, 1]} : vector<16x128xi1> to vector<1x128xi1>
    %not3A_322 = arith.constant dense<true> : vector<1x128xi1>
    %not3A_323 = arith.xori %broadcast_in_dim3A_320, %not3A_322 : vector<1x128xi1>
    %and3A_324 = arith.andi %slice3A_321, %not3A_323 : vector<1x128xi1>
    %jit3A_325 = arith.constant 1.000000e+00 : f32
    %jit3A_326 = arith.constant 0.000000e+00 : f32
    %broadcast_in_dim3A_327 = vector.broadcast %jit3A_325 : f32 to vector<1x128xf32>
    %broadcast_in_dim3A_328 = vector.broadcast %jit3A_326 : f32 to vector<1x128xf32>
    %select_n3A_329 = arith.select %and3A_324, %broadcast_in_dim3A_327, %broadcast_in_dim3A_328 : vector<1x128xi1>, vector<1x128xf32>
    %swap3A_330 = arith.constant 3 : index
    %swap3A_331 = arith.constant 0 : index
    %swap3A_332 = vector.load %arg5[%swap3A_330, %swap3A_331] : memref<16x128xf32, #tpu.memory_space<vmem>>, vector<1x128xf32>
    tpu.vector_store %arg5[%swap3A_330, %swap3A_331], %select_n3A_329 {strides = array<i32>} : memref<16x128xf32, #tpu.memory_space<vmem>>, vector<1x128xf32>,
    %slice3A_333 = vector.extract_strided_slice %add3A_205 {offsets = [0, 4], sizes = [128, 1], strides = [1, 1]} : vector<128x16xi32> to vector<128x1xi32>
    %slice3A_334 = vector.extract_strided_slice %ne3A_155 {offsets = [0, 4], sizes = [128, 1], strides = [1, 1]} : vector<128x16xi1> to vector<128x1xi1>
    %slice3A_335 = vector.extract_strided_slice %add3A_132 {offsets = [4, 0], sizes = [1, 128], strides = [1, 1]} : vector<16x128xi32> to vector<1x128xi32>
    %eq3A_336 = vector.broadcast %slice3A_333 : vector<128x1xi32> to vector<128x128xi32>
    %eq3A_337 = vector.broadcast %slice3A_335 : vector<1x128xi32> to vector<128x128xi32>
    %eq3A_338 = arith.cmpi eq, %eq3A_336, %eq3A_337 : vector<128x128xi32>
    %gt3A_339 = arith.cmpi sgt, %iota3A, %iota3A_206 : vector<128x128xi32>
    %and3A_340 = arith.andi %eq3A_338, %gt3A_339 : vector<128x128xi1>
    %and3A_341 = vector.broadcast %slice3A_334 : vector<128x1xi1> to vector<128x128xi1>
    %and3A_342 = arith.andi %and3A_340, %and3A_341 : vector<128x128xi1>
    %reduce_or3A_343 = arith.constant 1.000000e+00 : f32
    %reduce_or3A_344 = arith.constant 0.000000e+00 : f32
    %reduce_or3A_345 = vector.broadcast %reduce_or3A_343 : f32 to vector<128x128xf32>
    %reduce_or3A_346 = vector.broadcast %reduce_or3A_344 : f32 to vector<128x128xf32>
    %reduce_or3A_347 = arith.select %and3A_342, %reduce_or3A_345, %reduce_or3A_346 : vector<128x128xi1>, vector<128x128xf32>
    %reduce_or3A_348 = arith.constant dense<0xFF800000> : vector<128xf32>
    %reduce_or3A_349 = vector.multi_reduction <maximumf>, %reduce_or3A_347, %reduce_or3A_348 [0] : vector<128x128xf32> to vector<128xf32>
    %reduce_or3A_350 = arith.constant 0.000000e+00 : f32
    %reduce_or3A_351 = vector.broadcast %reduce_or3A_350 : f32 to vector<128xf32>
    %reduce_or3A_352 = arith.cmpf ogt, %reduce_or3A_349, %reduce_or3A_351 : vector<128xf32>
    %broadcast_in_dim3A_353 = vector.shape_cast %reduce_or3A_352 : vector<128xi1> to vector<1x128xi1>
    %slice3A_354 = vector.extract_strided_slice %ne3A_43 {offsets = [4, 0], sizes = [1, 128], strides = [1, 1]} : vector<16x128xi1> to vector<1x128xi1>
    %not3A_355 = arith.constant dense<true> : vector<1x128xi1>
    %not3A_356 = arith.xori %broadcast_in_dim3A_353, %not3A_355 : vector<1x128xi1>
    %and3A_357 = arith.andi %slice3A_354, %not3A_356 : vector<1x128xi1>
    %jit3A_358 = arith.constant 1.000000e+00 : f32
    %jit3A_359 = arith.constant 0.000000e+00 : f32
    %broadcast_in_dim3A_360 = vector.broadcast %jit3A_358 : f32 to vector<1x128xf32>
    %broadcast_in_dim3A_361 = vector.broadcast %jit3A_359 : f32 to vector<1x128xf32>
    %select_n3A_362 = arith.select %and3A_357, %broadcast_in_dim3A_360, %broadcast_in_dim3A_361 : vector<1x128xi1>, vector<1x128xf32>
    %swap3A_363 = arith.constant 4 : index
    %swap3A_364 = arith.constant 0 : index
    %swap3A_365 = vector.load %arg5[%swap3A_363, %swap3A_364] : memref<16x128xf32, #tpu.memory_space<vmem>>, vector<1x128xf32>
    tpu.vector_store %arg5[%swap3A_363, %swap3A_364], %select_n3A_362 {strides = array<i32>} : memref<16x128xf32, #tpu.memory_space<vmem>>, vector<1x128xf32>,
    %slice3A_366 = vector.extract_strided_slice %add3A_205 {offsets = [0, 5], sizes = [128, 1], strides = [1, 1]} : vector<128x16xi32> to vector<128x1xi32>
    %slice3A_367 = vector.extract_strided_slice %ne3A_155 {offsets = [0, 5], sizes = [128, 1], strides = [1, 1]} : vector<128x16xi1> to vector<128x1xi1>
    %slice3A_368 = vector.extract_strided_slice %add3A_132 {offsets = [5, 0], sizes = [1, 128], strides = [1, 1]} : vector<16x128xi32> to vector<1x128xi32>
    %eq3A_369 = vector.broadcast %slice3A_366 : vector<128x1xi32> to vector<128x128xi32>
    %eq3A_370 = vector.broadcast %slice3A_368 : vector<1x128xi32> to vector<128x128xi32>
    %eq3A_371 = arith.cmpi eq, %eq3A_369, %eq3A_370 : vector<128x128xi32>
    %gt3A_372 = arith.cmpi sgt, %iota3A, %iota3A_206 : vector<128x128xi32>
    %and3A_373 = arith.andi %eq3A_371, %gt3A_372 : vector<128x128xi1>
    %and3A_374 = vector.broadcast %slice3A_367 : vector<128x1xi1> to vector<128x128xi1>
    %and3A_375 = arith.andi %and3A_373, %and3A_374 : vector<128x128xi1>
    %reduce_or3A_376 = arith.constant 1.000000e+00 : f32
    %reduce_or3A_377 = arith.constant 0.000000e+00 : f32
    %reduce_or3A_378 = vector.broadcast %reduce_or3A_376 : f32 to vector<128x128xf32>
    %reduce_or3A_379 = vector.broadcast %reduce_or3A_377 : f32 to vector<128x128xf32>
    %reduce_or3A_380 = arith.select %and3A_375, %reduce_or3A_378, %reduce_or3A_379 : vector<128x128xi1>, vector<128x128xf32>
    %reduce_or3A_381 = arith.constant dense<0xFF800000> : vector<128xf32>
    %reduce_or3A_382 = vector.multi_reduction <maximumf>, %reduce_or3A_380, %reduce_or3A_381 [0] : vector<128x128xf32> to vector<128xf32>
    %reduce_or3A_383 = arith.constant 0.000000e+00 : f32
    %reduce_or3A_384 = vector.broadcast %reduce_or3A_383 : f32 to vector<128xf32>
    %reduce_or3A_385 = arith.cmpf ogt, %reduce_or3A_382, %reduce_or3A_384 : vector<128xf32>
    %broadcast_in_dim3A_386 = vector.shape_cast %reduce_or3A_385 : vector<128xi1> to vector<1x128xi1>
    %slice3A_387 = vector.extract_strided_slice %ne3A_43 {offsets = [5, 0], sizes = [1, 128], strides = [1, 1]} : vector<16x128xi1> to vector<1x128xi1>
    %not3A_388 = arith.constant dense<true> : vector<1x128xi1>
    %not3A_389 = arith.xori %broadcast_in_dim3A_386, %not3A_388 : vector<1x128xi1>
    %and3A_390 = arith.andi %slice3A_387, %not3A_389 : vector<1x128xi1>
    %jit3A_391 = arith.constant 1.000000e+00 : f32
    %jit3A_392 = arith.constant 0.000000e+00 : f32
    %broadcast_in_dim3A_393 = vector.broadcast %jit3A_391 : f32 to vector<1x128xf32>
    %broadcast_in_dim3A_394 = vector.broadcast %jit3A_392 : f32 to vector<1x128xf32>
    %select_n3A_395 = arith.select %and3A_390, %broadcast_in_dim3A_393, %broadcast_in_dim3A_394 : vector<1x128xi1>, vector<1x128xf32>
    %swap3A_396 = arith.constant 5 : index
    %swap3A_397 = arith.constant 0 : index
    %swap3A_398 = vector.load %arg5[%swap3A_396, %swap3A_397] : memref<16x128xf32, #tpu.memory_space<vmem>>, vector<1x128xf32>
    tpu.vector_store %arg5[%swap3A_396, %swap3A_397], %select_n3A_395 {strides = array<i32>} : memref<16x128xf32, #tpu.memory_space<vmem>>, vector<1x128xf32>,
    %slice3A_399 = vector.extract_strided_slice %add3A_205 {offsets = [0, 6], sizes = [128, 1], strides = [1, 1]} : vector<128x16xi32> to vector<128x1xi32>
    %slice3A_400 = vector.extract_strided_slice %ne3A_155 {offsets = [0, 6], sizes = [128, 1], strides = [1, 1]} : vector<128x16xi1> to vector<128x1xi1>
    %slice3A_401 = vector.extract_strided_slice %add3A_132 {offsets = [6, 0], sizes = [1, 128], strides = [1, 1]} : vector<16x128xi32> to vector<1x128xi32>
    %eq3A_402 = vector.broadcast %slice3A_399 : vector<128x1xi32> to vector<128x128xi32>
    %eq3A_403 = vector.broadcast %slice3A_401 : vector<1x128xi32> to vector<128x128xi32>
    %eq3A_404 = arith.cmpi eq, %eq3A_402, %eq3A_403 : vector<128x128xi32>
    %gt3A_405 = arith.cmpi sgt, %iota3A, %iota3A_206 : vector<128x128xi32>
    %and3A_406 = arith.andi %eq3A_404, %gt3A_405 : vector<128x128xi1>
    %and3A_407 = vector.broadcast %slice3A_400 : vector<128x1xi1> to vector<128x128xi1>
    %and3A_408 = arith.andi %and3A_406, %and3A_407 : vector<128x128xi1>
    %reduce_or3A_409 = arith.constant 1.000000e+00 : f32
    %reduce_or3A_410 = arith.constant 0.000000e+00 : f32
    %reduce_or3A_411 = vector.broadcast %reduce_or3A_409 : f32 to vector<128x128xf32>
    %reduce_or3A_412 = vector.broadcast %reduce_or3A_410 : f32 to vector<128x128xf32>
    %reduce_or3A_413 = arith.select %and3A_408, %reduce_or3A_411, %reduce_or3A_412 : vector<128x128xi1>, vector<128x128xf32>
    %reduce_or3A_414 = arith.constant dense<0xFF800000> : vector<128xf32>
    %reduce_or3A_415 = vector.multi_reduction <maximumf>, %reduce_or3A_413, %reduce_or3A_414 [0] : vector<128x128xf32> to vector<128xf32>
    %reduce_or3A_416 = arith.constant 0.000000e+00 : f32
    %reduce_or3A_417 = vector.broadcast %reduce_or3A_416 : f32 to vector<128xf32>
    %reduce_or3A_418 = arith.cmpf ogt, %reduce_or3A_415, %reduce_or3A_417 : vector<128xf32>
    %broadcast_in_dim3A_419 = vector.shape_cast %reduce_or3A_418 : vector<128xi1> to vector<1x128xi1>
    %slice3A_420 = vector.extract_strided_slice %ne3A_43 {offsets = [6, 0], sizes = [1, 128], strides = [1, 1]} : vector<16x128xi1> to vector<1x128xi1>
    %not3A_421 = arith.constant dense<true> : vector<1x128xi1>
    %not3A_422 = arith.xori %broadcast_in_dim3A_419, %not3A_421 : vector<1x128xi1>
    %and3A_423 = arith.andi %slice3A_420, %not3A_422 : vector<1x128xi1>
    %jit3A_424 = arith.constant 1.000000e+00 : f32
    %jit3A_425 = arith.constant 0.000000e+00 : f32
    %broadcast_in_dim3A_426 = vector.broadcast %jit3A_424 : f32 to vector<1x128xf32>
    %broadcast_in_dim3A_427 = vector.broadcast %jit3A_425 : f32 to vector<1x128xf32>
    %select_n3A_428 = arith.select %and3A_423, %broadcast_in_dim3A_426, %broadcast_in_dim3A_427 : vector<1x128xi1>, vector<1x128xf32>
    %swap3A_429 = arith.constant 6 : index
    %swap3A_430 = arith.constant 0 : index
    %swap3A_431 = vector.load %arg5[%swap3A_429, %swap3A_430] : memref<16x128xf32, #tpu.memory_space<vmem>>, vector<1x128xf32>
    tpu.vector_store %arg5[%swap3A_429, %swap3A_430], %select_n3A_428 {strides = array<i32>} : memref<16x128xf32, #tpu.memory_space<vmem>>, vector<1x128xf32>,
    %slice3A_432 = vector.extract_strided_slice %add3A_205 {offsets = [0, 7], sizes = [128, 1], strides = [1, 1]} : vector<128x16xi32> to vector<128x1xi32>
    %slice3A_433 = vector.extract_strided_slice %ne3A_155 {offsets = [0, 7], sizes = [128, 1], strides = [1, 1]} : vector<128x16xi1> to vector<128x1xi1>
    %slice3A_434 = vector.extract_strided_slice %add3A_132 {offsets = [7, 0], sizes = [1, 128], strides = [1, 1]} : vector<16x128xi32> to vector<1x128xi32>
    %eq3A_435 = vector.broadcast %slice3A_432 : vector<128x1xi32> to vector<128x128xi32>
    %eq3A_436 = vector.broadcast %slice3A_434 : vector<1x128xi32> to vector<128x128xi32>
    %eq3A_437 = arith.cmpi eq, %eq3A_435, %eq3A_436 : vector<128x128xi32>
    %gt3A_438 = arith.cmpi sgt, %iota3A, %iota3A_206 : vector<128x128xi32>
    %and3A_439 = arith.andi %eq3A_437, %gt3A_438 : vector<128x128xi1>
    %and3A_440 = vector.broadcast %slice3A_433 : vector<128x1xi1> to vector<128x128xi1>
    %and3A_441 = arith.andi %and3A_439, %and3A_440 : vector<128x128xi1>
    %reduce_or3A_442 = arith.constant 1.000000e+00 : f32
    %reduce_or3A_443 = arith.constant 0.000000e+00 : f32
    %reduce_or3A_444 = vector.broadcast %reduce_or3A_442 : f32 to vector<128x128xf32>
    %reduce_or3A_445 = vector.broadcast %reduce_or3A_443 : f32 to vector<128x128xf32>
    %reduce_or3A_446 = arith.select %and3A_441, %reduce_or3A_444, %reduce_or3A_445 : vector<128x128xi1>, vector<128x128xf32>
    %reduce_or3A_447 = arith.constant dense<0xFF800000> : vector<128xf32>
    %reduce_or3A_448 = vector.multi_reduction <maximumf>, %reduce_or3A_446, %reduce_or3A_447 [0] : vector<128x128xf32> to vector<128xf32>
    %reduce_or3A_449 = arith.constant 0.000000e+00 : f32
    %reduce_or3A_450 = vector.broadcast %reduce_or3A_449 : f32 to vector<128xf32>
    %reduce_or3A_451 = arith.cmpf ogt, %reduce_or3A_448, %reduce_or3A_450 : vector<128xf32>
    %broadcast_in_dim3A_452 = vector.shape_cast %reduce_or3A_451 : vector<128xi1> to vector<1x128xi1>
    %slice3A_453 = vector.extract_strided_slice %ne3A_43 {offsets = [7, 0], sizes = [1, 128], strides = [1, 1]} : vector<16x128xi1> to vector<1x128xi1>
    %not3A_454 = arith.constant dense<true> : vector<1x128xi1>
    %not3A_455 = arith.xori %broadcast_in_dim3A_452, %not3A_454 : vector<1x128xi1>
    %and3A_456 = arith.andi %slice3A_453, %not3A_455 : vector<1x128xi1>
    %jit3A_457 = arith.constant 1.000000e+00 : f32
    %jit3A_458 = arith.constant 0.000000e+00 : f32
    %broadcast_in_dim3A_459 = vector.broadcast %jit3A_457 : f32 to vector<1x128xf32>
    %broadcast_in_dim3A_460 = vector.broadcast %jit3A_458 : f32 to vector<1x128xf32>
    %select_n3A_461 = arith.select %and3A_456, %broadcast_in_dim3A_459, %broadcast_in_dim3A_460 : vector<1x128xi1>, vector<1x128xf32>
    %swap3A_462 = arith.constant 7 : index
    %swap3A_463 = arith.constant 0 : index
    %swap3A_464 = vector.load %arg5[%swap3A_462, %swap3A_463] : memref<16x128xf32, #tpu.memory_space<vmem>>, vector<1x128xf32>
    tpu.vector_store %arg5[%swap3A_462, %swap3A_463], %select_n3A_461 {strides = array<i32>} : memref<16x128xf32, #tpu.memory_space<vmem>>, vector<1x128xf32>,
    %slice3A_465 = vector.extract_strided_slice %add3A_205 {offsets = [0, 8], sizes = [128, 1], strides = [1, 1]} : vector<128x16xi32> to vector<128x1xi32>
    %slice3A_466 = vector.extract_strided_slice %ne3A_155 {offsets = [0, 8], sizes = [128, 1], strides = [1, 1]} : vector<128x16xi1> to vector<128x1xi1>
    %slice3A_467 = vector.extract_strided_slice %add3A_132 {offsets = [8, 0], sizes = [1, 128], strides = [1, 1]} : vector<16x128xi32> to vector<1x128xi32>
    %eq3A_468 = vector.broadcast %slice3A_465 : vector<128x1xi32> to vector<128x128xi32>
    %eq3A_469 = vector.broadcast %slice3A_467 : vector<1x128xi32> to vector<128x128xi32>
    %eq3A_470 = arith.cmpi eq, %eq3A_468, %eq3A_469 : vector<128x128xi32>
    %gt3A_471 = arith.cmpi sgt, %iota3A, %iota3A_206 : vector<128x128xi32>
    %and3A_472 = arith.andi %eq3A_470, %gt3A_471 : vector<128x128xi1>
    %and3A_473 = vector.broadcast %slice3A_466 : vector<128x1xi1> to vector<128x128xi1>
    %and3A_474 = arith.andi %and3A_472, %and3A_473 : vector<128x128xi1>
    %reduce_or3A_475 = arith.constant 1.000000e+00 : f32
    %reduce_or3A_476 = arith.constant 0.000000e+00 : f32
    %reduce_or3A_477 = vector.broadcast %reduce_or3A_475 : f32 to vector<128x128xf32>
    %reduce_or3A_478 = vector.broadcast %reduce_or3A_476 : f32 to vector<128x128xf32>
    %reduce_or3A_479 = arith.select %and3A_474, %reduce_or3A_477, %reduce_or3A_478 : vector<128x128xi1>, vector<128x128xf32>
    %reduce_or3A_480 = arith.constant dense<0xFF800000> : vector<128xf32>
    %reduce_or3A_481 = vector.multi_reduction <maximumf>, %reduce_or3A_479, %reduce_or3A_480 [0] : vector<128x128xf32> to vector<128xf32>
    %reduce_or3A_482 = arith.constant 0.000000e+00 : f32
    %reduce_or3A_483 = vector.broadcast %reduce_or3A_482 : f32 to vector<128xf32>
    %reduce_or3A_484 = arith.cmpf ogt, %reduce_or3A_481, %reduce_or3A_483 : vector<128xf32>
    %broadcast_in_dim3A_485 = vector.shape_cast %reduce_or3A_484 : vector<128xi1> to vector<1x128xi1>
    %slice3A_486 = vector.extract_strided_slice %ne3A_43 {offsets = [8, 0], sizes = [1, 128], strides = [1, 1]} : vector<16x128xi1> to vector<1x128xi1>
    %not3A_487 = arith.constant dense<true> : vector<1x128xi1>
    %not3A_488 = arith.xori %broadcast_in_dim3A_485, %not3A_487 : vector<1x128xi1>
    %and3A_489 = arith.andi %slice3A_486, %not3A_488 : vector<1x128xi1>
    %jit3A_490 = arith.constant 1.000000e+00 : f32
    %jit3A_491 = arith.constant 0.000000e+00 : f32
    %broadcast_in_dim3A_492 = vector.broadcast %jit3A_490 : f32 to vector<1x128xf32>
    %broadcast_in_dim3A_493 = vector.broadcast %jit3A_491 : f32 to vector<1x128xf32>
    %select_n3A_494 = arith.select %and3A_489, %broadcast_in_dim3A_492, %broadcast_in_dim3A_493 : vector<1x128xi1>, vector<1x128xf32>
    %swap3A_495 = arith.constant 8 : index
    %swap3A_496 = arith.constant 0 : index
    %swap3A_497 = vector.load %arg5[%swap3A_495, %swap3A_496] : memref<16x128xf32, #tpu.memory_space<vmem>>, vector<1x128xf32>
    tpu.vector_store %arg5[%swap3A_495, %swap3A_496], %select_n3A_494 {strides = array<i32>} : memref<16x128xf32, #tpu.memory_space<vmem>>, vector<1x128xf32>,
    %slice3A_498 = vector.extract_strided_slice %add3A_205 {offsets = [0, 9], sizes = [128, 1], strides = [1, 1]} : vector<128x16xi32> to vector<128x1xi32>
    %slice3A_499 = vector.extract_strided_slice %ne3A_155 {offsets = [0, 9], sizes = [128, 1], strides = [1, 1]} : vector<128x16xi1> to vector<128x1xi1>
    %slice3A_500 = vector.extract_strided_slice %add3A_132 {offsets = [9, 0], sizes = [1, 128], strides = [1, 1]} : vector<16x128xi32> to vector<1x128xi32>
    %eq3A_501 = vector.broadcast %slice3A_498 : vector<128x1xi32> to vector<128x128xi32>
    %eq3A_502 = vector.broadcast %slice3A_500 : vector<1x128xi32> to vector<128x128xi32>
    %eq3A_503 = arith.cmpi eq, %eq3A_501, %eq3A_502 : vector<128x128xi32>
    %gt3A_504 = arith.cmpi sgt, %iota3A, %iota3A_206 : vector<128x128xi32>
    %and3A_505 = arith.andi %eq3A_503, %gt3A_504 : vector<128x128xi1>
    %and3A_506 = vector.broadcast %slice3A_499 : vector<128x1xi1> to vector<128x128xi1>
    %and3A_507 = arith.andi %and3A_505, %and3A_506 : vector<128x128xi1>
    %reduce_or3A_508 = arith.constant 1.000000e+00 : f32
    %reduce_or3A_509 = arith.constant 0.000000e+00 : f32
    %reduce_or3A_510 = vector.broadcast %reduce_or3A_508 : f32 to vector<128x128xf32>
    %reduce_or3A_511 = vector.broadcast %reduce_or3A_509 : f32 to vector<128x128xf32>
    %reduce_or3A_512 = arith.select %and3A_507, %reduce_or3A_510, %reduce_or3A_511 : vector<128x128xi1>, vector<128x128xf32>
    %reduce_or3A_513 = arith.constant dense<0xFF800000> : vector<128xf32>
    %reduce_or3A_514 = vector.multi_reduction <maximumf>, %reduce_or3A_512, %reduce_or3A_513 [0] : vector<128x128xf32> to vector<128xf32>
    %reduce_or3A_515 = arith.constant 0.000000e+00 : f32
    %reduce_or3A_516 = vector.broadcast %reduce_or3A_515 : f32 to vector<128xf32>
    %reduce_or3A_517 = arith.cmpf ogt, %reduce_or3A_514, %reduce_or3A_516 : vector<128xf32>
    %broadcast_in_dim3A_518 = vector.shape_cast %reduce_or3A_517 : vector<128xi1> to vector<1x128xi1>
    %slice3A_519 = vector.extract_strided_slice %ne3A_43 {offsets = [9, 0], sizes = [1, 128], strides = [1, 1]} : vector<16x128xi1> to vector<1x128xi1>
    %not3A_520 = arith.constant dense<true> : vector<1x128xi1>
    %not3A_521 = arith.xori %broadcast_in_dim3A_518, %not3A_520 : vector<1x128xi1>
    %and3A_522 = arith.andi %slice3A_519, %not3A_521 : vector<1x128xi1>
    %jit3A_523 = arith.constant 1.000000e+00 : f32
    %jit3A_524 = arith.constant 0.000000e+00 : f32
    %broadcast_in_dim3A_525 = vector.broadcast %jit3A_523 : f32 to vector<1x128xf32>
    %broadcast_in_dim3A_526 = vector.broadcast %jit3A_524 : f32 to vector<1x128xf32>
    %select_n3A_527 = arith.select %and3A_522, %broadcast_in_dim3A_525, %broadcast_in_dim3A_526 : vector<1x128xi1>, vector<1x128xf32>
    %swap3A_528 = arith.constant 9 : index
    %swap3A_529 = arith.constant 0 : index
    %swap3A_530 = vector.load %arg5[%swap3A_528, %swap3A_529] : memref<16x128xf32, #tpu.memory_space<vmem>>, vector<1x128xf32>
    tpu.vector_store %arg5[%swap3A_528, %swap3A_529], %select_n3A_527 {strides = array<i32>} : memref<16x128xf32, #tpu.memory_space<vmem>>, vector<1x128xf32>,
    %slice3A_531 = vector.extract_strided_slice %add3A_205 {offsets = [0, 10], sizes = [128, 1], strides = [1, 1]} : vector<128x16xi32> to vector<128x1xi32>
    %slice3A_532 = vector.extract_strided_slice %ne3A_155 {offsets = [0, 10], sizes = [128, 1], strides = [1, 1]} : vector<128x16xi1> to vector<128x1xi1>
    %slice3A_533 = vector.extract_strided_slice %add3A_132 {offsets = [10, 0], sizes = [1, 128], strides = [1, 1]} : vector<16x128xi32> to vector<1x128xi32>
    %eq3A_534 = vector.broadcast %slice3A_531 : vector<128x1xi32> to vector<128x128xi32>
    %eq3A_535 = vector.broadcast %slice3A_533 : vector<1x128xi32> to vector<128x128xi32>
    %eq3A_536 = arith.cmpi eq, %eq3A_534, %eq3A_535 : vector<128x128xi32>
    %gt3A_537 = arith.cmpi sgt, %iota3A, %iota3A_206 : vector<128x128xi32>
    %and3A_538 = arith.andi %eq3A_536, %gt3A_537 : vector<128x128xi1>
    %and3A_539 = vector.broadcast %slice3A_532 : vector<128x1xi1> to vector<128x128xi1>
    %and3A_540 = arith.andi %and3A_538, %and3A_539 : vector<128x128xi1>
    %reduce_or3A_541 = arith.constant 1.000000e+00 : f32
    %reduce_or3A_542 = arith.constant 0.000000e+00 : f32
    %reduce_or3A_543 = vector.broadcast %reduce_or3A_541 : f32 to vector<128x128xf32>
    %reduce_or3A_544 = vector.broadcast %reduce_or3A_542 : f32 to vector<128x128xf32>
    %reduce_or3A_545 = arith.select %and3A_540, %reduce_or3A_543, %reduce_or3A_544 : vector<128x128xi1>, vector<128x128xf32>
    %reduce_or3A_546 = arith.constant dense<0xFF800000> : vector<128xf32>
    %reduce_or3A_547 = vector.multi_reduction <maximumf>, %reduce_or3A_545, %reduce_or3A_546 [0] : vector<128x128xf32> to vector<128xf32>
    %reduce_or3A_548 = arith.constant 0.000000e+00 : f32
    %reduce_or3A_549 = vector.broadcast %reduce_or3A_548 : f32 to vector<128xf32>
    %reduce_or3A_550 = arith.cmpf ogt, %reduce_or3A_547, %reduce_or3A_549 : vector<128xf32>
    %broadcast_in_dim3A_551 = vector.shape_cast %reduce_or3A_550 : vector<128xi1> to vector<1x128xi1>
    %slice3A_552 = vector.extract_strided_slice %ne3A_43 {offsets = [10, 0], sizes = [1, 128], strides = [1, 1]} : vector<16x128xi1> to vector<1x128xi1>
    %not3A_553 = arith.constant dense<true> : vector<1x128xi1>
    %not3A_554 = arith.xori %broadcast_in_dim3A_551, %not3A_553 : vector<1x128xi1>
    %and3A_555 = arith.andi %slice3A_552, %not3A_554 : vector<1x128xi1>
    %jit3A_556 = arith.constant 1.000000e+00 : f32
    %jit3A_557 = arith.constant 0.000000e+00 : f32
    %broadcast_in_dim3A_558 = vector.broadcast %jit3A_556 : f32 to vector<1x128xf32>
    %broadcast_in_dim3A_559 = vector.broadcast %jit3A_557 : f32 to vector<1x128xf32>
    %select_n3A_560 = arith.select %and3A_555, %broadcast_in_dim3A_558, %broadcast_in_dim3A_559 : vector<1x128xi1>, vector<1x128xf32>
    %swap3A_561 = arith.constant 10 : index
    %swap3A_562 = arith.constant 0 : index
    %swap3A_563 = vector.load %arg5[%swap3A_561, %swap3A_562] : memref<16x128xf32, #tpu.memory_space<vmem>>, vector<1x128xf32>
    tpu.vector_store %arg5[%swap3A_561, %swap3A_562], %select_n3A_560 {strides = array<i32>} : memref<16x128xf32, #tpu.memory_space<vmem>>, vector<1x128xf32>,
    %slice3A_564 = vector.extract_strided_slice %add3A_205 {offsets = [0, 11], sizes = [128, 1], strides = [1, 1]} : vector<128x16xi32> to vector<128x1xi32>
    %slice3A_565 = vector.extract_strided_slice %ne3A_155 {offsets = [0, 11], sizes = [128, 1], strides = [1, 1]} : vector<128x16xi1> to vector<128x1xi1>
    %slice3A_566 = vector.extract_strided_slice %add3A_132 {offsets = [11, 0], sizes = [1, 128], strides = [1, 1]} : vector<16x128xi32> to vector<1x128xi32>
    %eq3A_567 = vector.broadcast %slice3A_564 : vector<128x1xi32> to vector<128x128xi32>
    %eq3A_568 = vector.broadcast %slice3A_566 : vector<1x128xi32> to vector<128x128xi32>
    %eq3A_569 = arith.cmpi eq, %eq3A_567, %eq3A_568 : vector<128x128xi32>
    %gt3A_570 = arith.cmpi sgt, %iota3A, %iota3A_206 : vector<128x128xi32>
    %and3A_571 = arith.andi %eq3A_569, %gt3A_570 : vector<128x128xi1>
    %and3A_572 = vector.broadcast %slice3A_565 : vector<128x1xi1> to vector<128x128xi1>
    %and3A_573 = arith.andi %and3A_571, %and3A_572 : vector<128x128xi1>
    %reduce_or3A_574 = arith.constant 1.000000e+00 : f32
    %reduce_or3A_575 = arith.constant 0.000000e+00 : f32
    %reduce_or3A_576 = vector.broadcast %reduce_or3A_574 : f32 to vector<128x128xf32>
    %reduce_or3A_577 = vector.broadcast %reduce_or3A_575 : f32 to vector<128x128xf32>
    %reduce_or3A_578 = arith.select %and3A_573, %reduce_or3A_576, %reduce_or3A_577 : vector<128x128xi1>, vector<128x128xf32>
    %reduce_or3A_579 = arith.constant dense<0xFF800000> : vector<128xf32>
    %reduce_or3A_580 = vector.multi_reduction <maximumf>, %reduce_or3A_578, %reduce_or3A_579 [0] : vector<128x128xf32> to vector<128xf32>
    %reduce_or3A_581 = arith.constant 0.000000e+00 : f32
    %reduce_or3A_582 = vector.broadcast %reduce_or3A_581 : f32 to vector<128xf32>
    %reduce_or3A_583 = arith.cmpf ogt, %reduce_or3A_580, %reduce_or3A_582 : vector<128xf32>
    %broadcast_in_dim3A_584 = vector.shape_cast %reduce_or3A_583 : vector<128xi1> to vector<1x128xi1>
    %slice3A_585 = vector.extract_strided_slice %ne3A_43 {offsets = [11, 0], sizes = [1, 128], strides = [1, 1]} : vector<16x128xi1> to vector<1x128xi1>
    %not3A_586 = arith.constant dense<true> : vector<1x128xi1>
    %not3A_587 = arith.xori %broadcast_in_dim3A_584, %not3A_586 : vector<1x128xi1>
    %and3A_588 = arith.andi %slice3A_585, %not3A_587 : vector<1x128xi1>
    %jit3A_589 = arith.constant 1.000000e+00 : f32
    %jit3A_590 = arith.constant 0.000000e+00 : f32
    %broadcast_in_dim3A_591 = vector.broadcast %jit3A_589 : f32 to vector<1x128xf32>
    %broadcast_in_dim3A_592 = vector.broadcast %jit3A_590 : f32 to vector<1x128xf32>
    %select_n3A_593 = arith.select %and3A_588, %broadcast_in_dim3A_591, %broadcast_in_dim3A_592 : vector<1x128xi1>, vector<1x128xf32>
    %swap3A_594 = arith.constant 11 : index
    %swap3A_595 = arith.constant 0 : index
    %swap3A_596 = vector.load %arg5[%swap3A_594, %swap3A_595] : memref<16x128xf32, #tpu.memory_space<vmem>>, vector<1x128xf32>
    tpu.vector_store %arg5[%swap3A_594, %swap3A_595], %select_n3A_593 {strides = array<i32>} : memref<16x128xf32, #tpu.memory_space<vmem>>, vector<1x128xf32>,
    %slice3A_597 = vector.extract_strided_slice %add3A_205 {offsets = [0, 12], sizes = [128, 1], strides = [1, 1]} : vector<128x16xi32> to vector<128x1xi32>
    %slice3A_598 = vector.extract_strided_slice %ne3A_155 {offsets = [0, 12], sizes = [128, 1], strides = [1, 1]} : vector<128x16xi1> to vector<128x1xi1>
    %slice3A_599 = vector.extract_strided_slice %add3A_132 {offsets = [12, 0], sizes = [1, 128], strides = [1, 1]} : vector<16x128xi32> to vector<1x128xi32>
    %eq3A_600 = vector.broadcast %slice3A_597 : vector<128x1xi32> to vector<128x128xi32>
    %eq3A_601 = vector.broadcast %slice3A_599 : vector<1x128xi32> to vector<128x128xi32>
    %eq3A_602 = arith.cmpi eq, %eq3A_600, %eq3A_601 : vector<128x128xi32>
    %gt3A_603 = arith.cmpi sgt, %iota3A, %iota3A_206 : vector<128x128xi32>
    %and3A_604 = arith.andi %eq3A_602, %gt3A_603 : vector<128x128xi1>
    %and3A_605 = vector.broadcast %slice3A_598 : vector<128x1xi1> to vector<128x128xi1>
    %and3A_606 = arith.andi %and3A_604, %and3A_605 : vector<128x128xi1>
    %reduce_or3A_607 = arith.constant 1.000000e+00 : f32
    %reduce_or3A_608 = arith.constant 0.000000e+00 : f32
    %reduce_or3A_609 = vector.broadcast %reduce_or3A_607 : f32 to vector<128x128xf32>
    %reduce_or3A_610 = vector.broadcast %reduce_or3A_608 : f32 to vector<128x128xf32>
    %reduce_or3A_611 = arith.select %and3A_606, %reduce_or3A_609, %reduce_or3A_610 : vector<128x128xi1>, vector<128x128xf32>
    %reduce_or3A_612 = arith.constant dense<0xFF800000> : vector<128xf32>
    %reduce_or3A_613 = vector.multi_reduction <maximumf>, %reduce_or3A_611, %reduce_or3A_612 [0] : vector<128x128xf32> to vector<128xf32>
    %reduce_or3A_614 = arith.constant 0.000000e+00 : f32
    %reduce_or3A_615 = vector.broadcast %reduce_or3A_614 : f32 to vector<128xf32>
    %reduce_or3A_616 = arith.cmpf ogt, %reduce_or3A_613, %reduce_or3A_615 : vector<128xf32>
    %broadcast_in_dim3A_617 = vector.shape_cast %reduce_or3A_616 : vector<128xi1> to vector<1x128xi1>
    %slice3A_618 = vector.extract_strided_slice %ne3A_43 {offsets = [12, 0], sizes = [1, 128], strides = [1, 1]} : vector<16x128xi1> to vector<1x128xi1>
    %not3A_619 = arith.constant dense<true> : vector<1x128xi1>
    %not3A_620 = arith.xori %broadcast_in_dim3A_617, %not3A_619 : vector<1x128xi1>
    %and3A_621 = arith.andi %slice3A_618, %not3A_620 : vector<1x128xi1>
    %jit3A_622 = arith.constant 1.000000e+00 : f32
    %jit3A_623 = arith.constant 0.000000e+00 : f32
    %broadcast_in_dim3A_624 = vector.broadcast %jit3A_622 : f32 to vector<1x128xf32>
    %broadcast_in_dim3A_625 = vector.broadcast %jit3A_623 : f32 to vector<1x128xf32>
    %select_n3A_626 = arith.select %and3A_621, %broadcast_in_dim3A_624, %broadcast_in_dim3A_625 : vector<1x128xi1>, vector<1x128xf32>
    %swap3A_627 = arith.constant 12 : index
    %swap3A_628 = arith.constant 0 : index
    %swap3A_629 = vector.load %arg5[%swap3A_627, %swap3A_628] : memref<16x128xf32, #tpu.memory_space<vmem>>, vector<1x128xf32>
    tpu.vector_store %arg5[%swap3A_627, %swap3A_628], %select_n3A_626 {strides = array<i32>} : memref<16x128xf32, #tpu.memory_space<vmem>>, vector<1x128xf32>,
    %slice3A_630 = vector.extract_strided_slice %add3A_205 {offsets = [0, 13], sizes = [128, 1], strides = [1, 1]} : vector<128x16xi32> to vector<128x1xi32>
    %slice3A_631 = vector.extract_strided_slice %ne3A_155 {offsets = [0, 13], sizes = [128, 1], strides = [1, 1]} : vector<128x16xi1> to vector<128x1xi1>
    %slice3A_632 = vector.extract_strided_slice %add3A_132 {offsets = [13, 0], sizes = [1, 128], strides = [1, 1]} : vector<16x128xi32> to vector<1x128xi32>
    %eq3A_633 = vector.broadcast %slice3A_630 : vector<128x1xi32> to vector<128x128xi32>
    %eq3A_634 = vector.broadcast %slice3A_632 : vector<1x128xi32> to vector<128x128xi32>
    %eq3A_635 = arith.cmpi eq, %eq3A_633, %eq3A_634 : vector<128x128xi32>
    %gt3A_636 = arith.cmpi sgt, %iota3A, %iota3A_206 : vector<128x128xi32>
    %and3A_637 = arith.andi %eq3A_635, %gt3A_636 : vector<128x128xi1>
    %and3A_638 = vector.broadcast %slice3A_631 : vector<128x1xi1> to vector<128x128xi1>
    %and3A_639 = arith.andi %and3A_637, %and3A_638 : vector<128x128xi1>
    %reduce_or3A_640 = arith.constant 1.000000e+00 : f32
    %reduce_or3A_641 = arith.constant 0.000000e+00 : f32
    %reduce_or3A_642 = vector.broadcast %reduce_or3A_640 : f32 to vector<128x128xf32>
    %reduce_or3A_643 = vector.broadcast %reduce_or3A_641 : f32 to vector<128x128xf32>
    %reduce_or3A_644 = arith.select %and3A_639, %reduce_or3A_642, %reduce_or3A_643 : vector<128x128xi1>, vector<128x128xf32>
    %reduce_or3A_645 = arith.constant dense<0xFF800000> : vector<128xf32>
    %reduce_or3A_646 = vector.multi_reduction <maximumf>, %reduce_or3A_644, %reduce_or3A_645 [0] : vector<128x128xf32> to vector<128xf32>
    %reduce_or3A_647 = arith.constant 0.000000e+00 : f32
    %reduce_or3A_648 = vector.broadcast %reduce_or3A_647 : f32 to vector<128xf32>
    %reduce_or3A_649 = arith.cmpf ogt, %reduce_or3A_646, %reduce_or3A_648 : vector<128xf32>
    %broadcast_in_dim3A_650 = vector.shape_cast %reduce_or3A_649 : vector<128xi1> to vector<1x128xi1>
    %slice3A_651 = vector.extract_strided_slice %ne3A_43 {offsets = [13, 0], sizes = [1, 128], strides = [1, 1]} : vector<16x128xi1> to vector<1x128xi1>
    %not3A_652 = arith.constant dense<true> : vector<1x128xi1>
    %not3A_653 = arith.xori %broadcast_in_dim3A_650, %not3A_652 : vector<1x128xi1>
    %and3A_654 = arith.andi %slice3A_651, %not3A_653 : vector<1x128xi1>
    %jit3A_655 = arith.constant 1.000000e+00 : f32
    %jit3A_656 = arith.constant 0.000000e+00 : f32
    %broadcast_in_dim3A_657 = vector.broadcast %jit3A_655 : f32 to vector<1x128xf32>
    %broadcast_in_dim3A_658 = vector.broadcast %jit3A_656 : f32 to vector<1x128xf32>
    %select_n3A_659 = arith.select %and3A_654, %broadcast_in_dim3A_657, %broadcast_in_dim3A_658 : vector<1x128xi1>, vector<1x128xf32>
    %swap3A_660 = arith.constant 13 : index
    %swap3A_661 = arith.constant 0 : index
    %swap3A_662 = vector.load %arg5[%swap3A_660, %swap3A_661] : memref<16x128xf32, #tpu.memory_space<vmem>>, vector<1x128xf32>
    tpu.vector_store %arg5[%swap3A_660, %swap3A_661], %select_n3A_659 {strides = array<i32>} : memref<16x128xf32, #tpu.memory_space<vmem>>, vector<1x128xf32>,
    %slice3A_663 = vector.extract_strided_slice %add3A_205 {offsets = [0, 14], sizes = [128, 1], strides = [1, 1]} : vector<128x16xi32> to vector<128x1xi32>
    %slice3A_664 = vector.extract_strided_slice %ne3A_155 {offsets = [0, 14], sizes = [128, 1], strides = [1, 1]} : vector<128x16xi1> to vector<128x1xi1>
    %slice3A_665 = vector.extract_strided_slice %add3A_132 {offsets = [14, 0], sizes = [1, 128], strides = [1, 1]} : vector<16x128xi32> to vector<1x128xi32>
    %eq3A_666 = vector.broadcast %slice3A_663 : vector<128x1xi32> to vector<128x128xi32>
    %eq3A_667 = vector.broadcast %slice3A_665 : vector<1x128xi32> to vector<128x128xi32>
    %eq3A_668 = arith.cmpi eq, %eq3A_666, %eq3A_667 : vector<128x128xi32>
    %gt3A_669 = arith.cmpi sgt, %iota3A, %iota3A_206 : vector<128x128xi32>
    %and3A_670 = arith.andi %eq3A_668, %gt3A_669 : vector<128x128xi1>
    %and3A_671 = vector.broadcast %slice3A_664 : vector<128x1xi1> to vector<128x128xi1>
    %and3A_672 = arith.andi %and3A_670, %and3A_671 : vector<128x128xi1>
    %reduce_or3A_673 = arith.constant 1.000000e+00 : f32
    %reduce_or3A_674 = arith.constant 0.000000e+00 : f32
    %reduce_or3A_675 = vector.broadcast %reduce_or3A_673 : f32 to vector<128x128xf32>
    %reduce_or3A_676 = vector.broadcast %reduce_or3A_674 : f32 to vector<128x128xf32>
    %reduce_or3A_677 = arith.select %and3A_672, %reduce_or3A_675, %reduce_or3A_676 : vector<128x128xi1>, vector<128x128xf32>
    %reduce_or3A_678 = arith.constant dense<0xFF800000> : vector<128xf32>
    %reduce_or3A_679 = vector.multi_reduction <maximumf>, %reduce_or3A_677, %reduce_or3A_678 [0] : vector<128x128xf32> to vector<128xf32>
    %reduce_or3A_680 = arith.constant 0.000000e+00 : f32
    %reduce_or3A_681 = vector.broadcast %reduce_or3A_680 : f32 to vector<128xf32>
    %reduce_or3A_682 = arith.cmpf ogt, %reduce_or3A_679, %reduce_or3A_681 : vector<128xf32>
    %broadcast_in_dim3A_683 = vector.shape_cast %reduce_or3A_682 : vector<128xi1> to vector<1x128xi1>
    %slice3A_684 = vector.extract_strided_slice %ne3A_43 {offsets = [14, 0], sizes = [1, 128], strides = [1, 1]} : vector<16x128xi1> to vector<1x128xi1>
    %not3A_685 = arith.constant dense<true> : vector<1x128xi1>
    %not3A_686 = arith.xori %broadcast_in_dim3A_683, %not3A_685 : vector<1x128xi1>
    %and3A_687 = arith.andi %slice3A_684, %not3A_686 : vector<1x128xi1>
    %jit3A_688 = arith.constant 1.000000e+00 : f32
    %jit3A_689 = arith.constant 0.000000e+00 : f32
    %broadcast_in_dim3A_690 = vector.broadcast %jit3A_688 : f32 to vector<1x128xf32>
    %broadcast_in_dim3A_691 = vector.broadcast %jit3A_689 : f32 to vector<1x128xf32>
    %select_n3A_692 = arith.select %and3A_687, %broadcast_in_dim3A_690, %broadcast_in_dim3A_691 : vector<1x128xi1>, vector<1x128xf32>
    %swap3A_693 = arith.constant 14 : index
    %swap3A_694 = arith.constant 0 : index
    %swap3A_695 = vector.load %arg5[%swap3A_693, %swap3A_694] : memref<16x128xf32, #tpu.memory_space<vmem>>, vector<1x128xf32>
    tpu.vector_store %arg5[%swap3A_693, %swap3A_694], %select_n3A_692 {strides = array<i32>} : memref<16x128xf32, #tpu.memory_space<vmem>>, vector<1x128xf32>,
    %slice3A_696 = vector.extract_strided_slice %add3A_205 {offsets = [0, 15], sizes = [128, 1], strides = [1, 1]} : vector<128x16xi32> to vector<128x1xi32>
    %slice3A_697 = vector.extract_strided_slice %ne3A_155 {offsets = [0, 15], sizes = [128, 1], strides = [1, 1]} : vector<128x16xi1> to vector<128x1xi1>
    %slice3A_698 = vector.extract_strided_slice %add3A_132 {offsets = [15, 0], sizes = [1, 128], strides = [1, 1]} : vector<16x128xi32> to vector<1x128xi32>
    %eq3A_699 = vector.broadcast %slice3A_696 : vector<128x1xi32> to vector<128x128xi32>
    %eq3A_700 = vector.broadcast %slice3A_698 : vector<1x128xi32> to vector<128x128xi32>
    %eq3A_701 = arith.cmpi eq, %eq3A_699, %eq3A_700 : vector<128x128xi32>
    %gt3A_702 = arith.cmpi sgt, %iota3A, %iota3A_206 : vector<128x128xi32>
    %and3A_703 = arith.andi %eq3A_701, %gt3A_702 : vector<128x128xi1>
    %and3A_704 = vector.broadcast %slice3A_697 : vector<128x1xi1> to vector<128x128xi1>
    %and3A_705 = arith.andi %and3A_703, %and3A_704 : vector<128x128xi1>
    %reduce_or3A_706 = arith.constant 1.000000e+00 : f32
    %reduce_or3A_707 = arith.constant 0.000000e+00 : f32
    %reduce_or3A_708 = vector.broadcast %reduce_or3A_706 : f32 to vector<128x128xf32>
    %reduce_or3A_709 = vector.broadcast %reduce_or3A_707 : f32 to vector<128x128xf32>
    %reduce_or3A_710 = arith.select %and3A_705, %reduce_or3A_708, %reduce_or3A_709 : vector<128x128xi1>, vector<128x128xf32>
    %reduce_or3A_711 = arith.constant dense<0xFF800000> : vector<128xf32>
    %reduce_or3A_712 = vector.multi_reduction <maximumf>, %reduce_or3A_710, %reduce_or3A_711 [0] : vector<128x128xf32> to vector<128xf32>
    %reduce_or3A_713 = arith.constant 0.000000e+00 : f32
    %reduce_or3A_714 = vector.broadcast %reduce_or3A_713 : f32 to vector<128xf32>
    %reduce_or3A_715 = arith.cmpf ogt, %reduce_or3A_712, %reduce_or3A_714 : vector<128xf32>
    %broadcast_in_dim3A_716 = vector.shape_cast %reduce_or3A_715 : vector<128xi1> to vector<1x128xi1>
    %slice3A_717 = vector.extract_strided_slice %ne3A_43 {offsets = [15, 0], sizes = [1, 128], strides = [1, 1]} : vector<16x128xi1> to vector<1x128xi1>
    %not3A_718 = arith.constant dense<true> : vector<1x128xi1>
    %not3A_719 = arith.xori %broadcast_in_dim3A_716, %not3A_718 : vector<1x128xi1>
    %and3A_720 = arith.andi %slice3A_717, %not3A_719 : vector<1x128xi1>
    %jit3A_721 = arith.constant 1.000000e+00 : f32
    %jit3A_722 = arith.constant 0.000000e+00 : f32
    %broadcast_in_dim3A_723 = vector.broadcast %jit3A_721 : f32 to vector<1x128xf32>
    %broadcast_in_dim3A_724 = vector.broadcast %jit3A_722 : f32 to vector<1x128xf32>
    %select_n3A_725 = arith.select %and3A_720, %broadcast_in_dim3A_723, %broadcast_in_dim3A_724 : vector<1x128xi1>, vector<1x128xf32>
    %swap3A_726 = arith.constant 15 : index
    %swap3A_727 = arith.constant 0 : index
    %swap3A_728 = vector.load %arg5[%swap3A_726, %swap3A_727] : memref<16x128xf32, #tpu.memory_space<vmem>>, vector<1x128xf32>
    tpu.vector_store %arg5[%swap3A_726, %swap3A_727], %select_n3A_725 {strides = array<i32>} : memref<16x128xf32, #tpu.memory_space<vmem>>, vector<1x128xf32>,
    %iota3A_729 = tpu.iota {dimensions = array<i32: 0>} : vector<16x128xi32>
    %shift_right_arithmetic3A = arith.constant 3 : i32
    %shift_right_arithmetic3A_730 = vector.broadcast %shift_right_arithmetic3A : i32 to vector<16x128xi32>
    %shift_right_arithmetic3A_731 = arith.shrsi %min3A_59, %shift_right_arithmetic3A_730 : vector<16x128xi32>
    %mul3A_732 = arith.constant 32 : i32
    %mul3A_733 = vector.broadcast %mul3A_732 : i32 to vector<16x128xi32>
    %mul3A_734 = arith.muli %shift_right_arithmetic3A_731, %mul3A_733 : vector<16x128xi32>
    %shift_right_arithmetic3A_735 = arith.constant 7 : i32
    %shift_right_arithmetic3A_736 = vector.broadcast %shift_right_arithmetic3A_735 : i32 to vector<16x128xi32>
    %shift_right_arithmetic3A_737 = arith.shrsi %min3A_48, %shift_right_arithmetic3A_736 : vector<16x128xi32>
    %add3A_738 = arith.addi %mul3A_734, %shift_right_arithmetic3A_737 : vector<16x128xi32>
    %mul3A_739 = arith.constant 8 : i32
    %mul3A_740 = vector.broadcast %mul3A_739 : i32 to vector<16x128xi32>
    %mul3A_741 = arith.muli %add3A_738, %mul3A_740 : vector<16x128xi32>
    %and3A_742 = arith.constant 7 : i32
    %and3A_743 = vector.broadcast %and3A_742 : i32 to vector<16x128xi32>
    %and3A_744 = arith.andi %min3A_59, %and3A_743 : vector<16x128xi32>
    %add3A_745 = arith.addi %mul3A_741, %and3A_744 : vector<16x128xi32>
    %mul3A_746 = arith.constant 128 : i32
    %mul3A_747 = vector.broadcast %mul3A_746 : i32 to vector<16x128xi32>
    %mul3A_748 = arith.muli %add3A_745, %mul3A_747 : vector<16x128xi32>
    %and3A_749 = arith.constant 127 : i32
    %and3A_750 = vector.broadcast %and3A_749 : i32 to vector<16x128xi32>
    %and3A_751 = arith.andi %min3A_48, %and3A_750 : vector<16x128xi32>
    %add3A_752 = arith.addi %mul3A_748, %and3A_751 : vector<16x128xi32>
    %mul3A_753 = arith.constant 15 : i32
    %mul3A_754 = vector.broadcast %mul3A_753 : i32 to vector<16x128xi32>
    %mul3A_755 = arith.muli %iota3A_729, %mul3A_754 : vector<16x128xi32>
    %mul3A_756 = arith.constant 5 : i32
    %mul3A_757 = vector.broadcast %mul3A_756 : i32 to vector<16x128xi32>
    %mul3A_758 = arith.muli %select_n3A_74, %mul3A_757 : vector<16x128xi32>
    %add3A_759 = arith.addi %mul3A_755, %mul3A_758 : vector<16x128xi32>
    %mul3A_760 = arith.constant 262144 : i32
    %mul3A_761 = vector.broadcast %mul3A_760 : i32 to vector<16x128xi32>
    %mul3A_762 = arith.muli %add3A_759, %mul3A_761 : vector<16x128xi32>
    %add3A_763 = arith.addi %mul3A_762, %add3A_752 : vector<16x128xi32>
    %add3A_764 = arith.constant 0 : i32
    %add3A_765 = vector.broadcast %add3A_764 : i32 to vector<16x128xi32>
    %add3A_766 = arith.addi %add3A_763, %add3A_765 : vector<16x128xi32>
    %swap3A_767 = arith.constant 0 : index
    %swap3A_768 = arith.constant 0 : index
    %swap3A_769 = vector.load %arg3[%swap3A_767, %swap3A_768] : memref<96x128xi32, #tpu.memory_space<vmem>>, vector<16x128xi32>
    tpu.vector_store %arg3[%swap3A_767, %swap3A_768], %add3A_766 {strides = array<i32>} : memref<96x128xi32, #tpu.memory_space<vmem>>, vector<16x128xi32>,
    %add3A_770 = arith.constant 262144 : i32
    %add3A_771 = vector.broadcast %add3A_770 : i32 to vector<16x128xi32>
    %add3A_772 = arith.addi %add3A_763, %add3A_771 : vector<16x128xi32>
    %swap3A_773 = arith.constant 16 : index
    %swap3A_774 = arith.constant 0 : index
    %swap3A_775 = vector.load %arg3[%swap3A_773, %swap3A_774] : memref<96x128xi32, #tpu.memory_space<vmem>>, vector<16x128xi32>
    tpu.vector_store %arg3[%swap3A_773, %swap3A_774], %add3A_772 {strides = array<i32>} : memref<96x128xi32, #tpu.memory_space<vmem>>, vector<16x128xi32>,
    %add3A_776 = arith.constant 524288 : i32
    %add3A_777 = vector.broadcast %add3A_776 : i32 to vector<16x128xi32>
    %add3A_778 = arith.addi %add3A_763, %add3A_777 : vector<16x128xi32>
    %swap3A_779 = arith.constant 32 : index
    %swap3A_780 = arith.constant 0 : index
    %swap3A_781 = vector.load %arg3[%swap3A_779, %swap3A_780] : memref<96x128xi32, #tpu.memory_space<vmem>>, vector<16x128xi32>
    tpu.vector_store %arg3[%swap3A_779, %swap3A_780], %add3A_778 {strides = array<i32>} : memref<96x128xi32, #tpu.memory_space<vmem>>, vector<16x128xi32>,
    %add3A_782 = arith.constant 786432 : i32
    %add3A_783 = vector.broadcast %add3A_782 : i32 to vector<16x128xi32>
    %add3A_784 = arith.addi %add3A_763, %add3A_783 : vector<16x128xi32>
    %swap3A_785 = arith.constant 48 : index
    %swap3A_786 = arith.constant 0 : index
    %swap3A_787 = vector.load %arg3[%swap3A_785, %swap3A_786] : memref<96x128xi32, #tpu.memory_space<vmem>>, vector<16x128xi32>
    tpu.vector_store %arg3[%swap3A_785, %swap3A_786], %add3A_784 {strides = array<i32>} : memref<96x128xi32, #tpu.memory_space<vmem>>, vector<16x128xi32>,
    %add3A_788 = arith.constant 1048576 : i32
    %add3A_789 = vector.broadcast %add3A_788 : i32 to vector<16x128xi32>
    %add3A_790 = arith.addi %add3A_763, %add3A_789 : vector<16x128xi32>
    %swap3A_791 = arith.constant 64 : index
    %swap3A_792 = arith.constant 0 : index
    %swap3A_793 = vector.load %arg3[%swap3A_791, %swap3A_792] : memref<96x128xi32, #tpu.memory_space<vmem>>, vector<16x128xi32>
    tpu.vector_store %arg3[%swap3A_791, %swap3A_792], %add3A_790 {strides = array<i32>} : memref<96x128xi32, #tpu.memory_space<vmem>>, vector<16x128xi32>,
    %broadcast_in_dim3A_794 = arith.constant 0 : i32
    %broadcast_in_dim3A_795 = vector.broadcast %broadcast_in_dim3A_794 : i32 to vector<16x128xi32>
    %swap3A_796 = arith.constant 80 : index
    %swap3A_797 = arith.constant 0 : index
    %swap3A_798 = vector.load %arg3[%swap3A_796, %swap3A_797] : memref<96x128xi32, #tpu.memory_space<vmem>>, vector<16x128xi32>
    tpu.vector_store %arg3[%swap3A_796, %swap3A_797], %broadcast_in_dim3A_795 {strides = array<i32>} : memref<96x128xi32, #tpu.memory_space<vmem>>, vector<16x128xi32>,
    return
  }
}

module attributes {stable_mosaic.version = 14 : i64} {
  func.func @_combine_body(%arg0: memref<1xf32, #tpu.memory_space<smem>>, %arg1: memref<96x128xf32, #tpu.memory_space<vmem>>, %arg2: memref<4x16x128xf32, #tpu.memory_space<vmem>>, %arg3: memref<16x128xf32, #tpu.memory_space<vmem>>, %arg4: memref<f32, #tpu.memory_space<smem>>, %arg5: memref<f32, #tpu.memory_space<smem>>, %arg6: memref<f32, #tpu.memory_space<smem>>) attributes {dimension_semantics = [], scalar_prefetch = 0 : i64, scratch_operands = 0 : i64, tpu.core_type = #tpu.core_type<tc>} {
    %get3A = arith.constant 0 : index
    %get3A_0 = arith.constant 0 : index
    %get3A_1 = vector.load %arg3[%get3A, %get3A_0] : memref<16x128xf32, #tpu.memory_space<vmem>>, vector<16x128xf32>
    %get3A_2 = arith.constant 0 : index
    %get3A_3 = arith.constant 0 : index
    %get3A_4 = vector.load %arg1[%get3A_2, %get3A_3] : memref<96x128xf32, #tpu.memory_space<vmem>>, vector<16x128xf32>
    %get3A_5 = arith.constant 16 : index
    %get3A_6 = arith.constant 0 : index
    %get3A_7 = vector.load %arg1[%get3A_5, %get3A_6] : memref<96x128xf32, #tpu.memory_space<vmem>>, vector<16x128xf32>
    %get3A_8 = arith.constant 32 : index
    %get3A_9 = arith.constant 0 : index
    %get3A_10 = vector.load %arg1[%get3A_8, %get3A_9] : memref<96x128xf32, #tpu.memory_space<vmem>>, vector<16x128xf32>
    %get3A_11 = arith.constant 48 : index
    %get3A_12 = arith.constant 0 : index
    %get3A_13 = vector.load %arg1[%get3A_11, %get3A_12] : memref<96x128xf32, #tpu.memory_space<vmem>>, vector<16x128xf32>
    %get3A_14 = arith.constant 64 : index
    %get3A_15 = arith.constant 0 : index
    %get3A_16 = vector.load %arg1[%get3A_14, %get3A_15] : memref<96x128xf32, #tpu.memory_space<vmem>>, vector<16x128xf32>
    %neg3A = arith.constant 0.000000e+00 : f32
    %neg3A_17 = vector.broadcast %neg3A : f32 to vector<16x128xf32>
    %neg3A_18 = arith.subf %neg3A_17, %get3A_16 : vector<16x128xf32>
    %max3A = arith.constant 0.000000e+00 : f32
    %max3A_19 = vector.broadcast %max3A : f32 to vector<16x128xf32>
    %max3A_20 = arith.maximumf %neg3A_18, %max3A_19 : vector<16x128xf32>
    %abs3A = math.absf %neg3A_18 : vector<16x128xf32>
    %neg3A_21 = arith.constant 0.000000e+00 : f32
    %neg3A_22 = vector.broadcast %neg3A_21 : f32 to vector<16x128xf32>
    %neg3A_23 = arith.subf %neg3A_22, %abs3A : vector<16x128xf32>
    %exp3A = math.exp %neg3A_23 : vector<16x128xf32>
    %add3A = arith.constant 1.000000e+00 : f32
    %add3A_24 = vector.broadcast %add3A : f32 to vector<16x128xf32>
    %add3A_25 = arith.addf %add3A_24, %exp3A : vector<16x128xf32>
    %log3A = math.log %add3A_25 : vector<16x128xf32>
    %add3A_26 = arith.addf %max3A_20, %log3A : vector<16x128xf32>
    %max3A_27 = arith.constant 0.000000e+00 : f32
    %max3A_28 = vector.broadcast %max3A_27 : f32 to vector<16x128xf32>
    %max3A_29 = arith.maximumf %get3A_16, %max3A_28 : vector<16x128xf32>
    %abs3A_30 = math.absf %get3A_16 : vector<16x128xf32>
    %neg3A_31 = arith.constant 0.000000e+00 : f32
    %neg3A_32 = vector.broadcast %neg3A_31 : f32 to vector<16x128xf32>
    %neg3A_33 = arith.subf %neg3A_32, %abs3A_30 : vector<16x128xf32>
    %exp3A_34 = math.exp %neg3A_33 : vector<16x128xf32>
    %add3A_35 = arith.constant 1.000000e+00 : f32
    %add3A_36 = vector.broadcast %add3A_35 : f32 to vector<16x128xf32>
    %add3A_37 = arith.addf %add3A_36, %exp3A_34 : vector<16x128xf32>
    %log3A_38 = math.log %add3A_37 : vector<16x128xf32>
    %add3A_39 = arith.addf %max3A_29, %log3A_38 : vector<16x128xf32>
    %mul3A = arith.constant 5.000000e-01 : f32
    %mul3A_40 = vector.broadcast %mul3A : f32 to vector<16x128xf32>
    %mul3A_41 = arith.mulf %mul3A_40, %add3A_39 : vector<16x128xf32>
    %sub3A = arith.subf %add3A_26, %mul3A_41 : vector<16x128xf32>
    %mul3A_42 = arith.mulf %get3A_1, %sub3A : vector<16x128xf32>
    %reduce_sum3A = vector.shape_cast %mul3A_42 : vector<16x128xf32> to vector<1x16x128xf32>
    %reduce_sum3A_43 = arith.constant dense<0.000000e+00> : vector<1xf32>
    %reduce_sum3A_44 = vector.multi_reduction <add>, %reduce_sum3A, %reduce_sum3A_43 [1, 2] : vector<1x16x128xf32> to vector<1xf32>
    %reduce_sum3A_45 = vector.shape_cast %reduce_sum3A_44 : vector<1xf32> to vector<1x1x1xf32>
    %reduce_sum3A_46 = vector.extract %reduce_sum3A_45[0, 0, 0] : f32 from vector<1x1x1xf32>
    %abs3A_47 = math.absf %get3A_4 : vector<16x128xf32>
    %neg3A_48 = arith.constant 0.000000e+00 : f32
    %neg3A_49 = vector.broadcast %neg3A_48 : f32 to vector<16x128xf32>
    %neg3A_50 = arith.subf %neg3A_49, %abs3A_47 : vector<16x128xf32>
    %exp3A_51 = math.exp %neg3A_50 : vector<16x128xf32>
    %ge3A = arith.constant 0.000000e+00 : f32
    %ge3A_52 = vector.broadcast %ge3A : f32 to vector<16x128xf32>
    %ge3A_53 = arith.cmpf oge, %get3A_4, %ge3A_52 : vector<16x128xf32>
    %add3A_54 = arith.constant 1.000000e+00 : f32
    %add3A_55 = vector.broadcast %add3A_54 : f32 to vector<16x128xf32>
    %add3A_56 = arith.addf %add3A_55, %exp3A_51 : vector<16x128xf32>
    %div3A = arith.constant 1.000000e+00 : f32
    %div3A_57 = vector.broadcast %div3A : f32 to vector<16x128xf32>
    %div3A_58 = arith.divf %div3A_57, %add3A_56 : vector<16x128xf32>
    %add3A_59 = arith.constant 1.000000e+00 : f32
    %add3A_60 = vector.broadcast %add3A_59 : f32 to vector<16x128xf32>
    %add3A_61 = arith.addf %add3A_60, %exp3A_51 : vector<16x128xf32>
    %div3A_62 = arith.divf %exp3A_51, %add3A_61 : vector<16x128xf32>
    %select_n3A = arith.select %ge3A_53, %div3A_58, %div3A_62 : vector<16x128xi1>, vector<16x128xf32>
    %get3A_63 = arith.constant 0 : index
    %get3A_64 = arith.constant 0 : index
    %get3A_65 = arith.constant 0 : index
    %get3A_66 = vector.load %arg2[%get3A_63, %get3A_64, %get3A_65] : memref<4x16x128xf32, #tpu.memory_space<vmem>>, vector<1x16x128xf32>
    %get3A_67 = vector.shape_cast %get3A_66 : vector<1x16x128xf32> to vector<16x128xf32>
    %sub3A_68 = arith.subf %select_n3A, %get3A_67 : vector<16x128xf32>
    %integer_pow3A = arith.mulf %sub3A_68, %sub3A_68 : vector<16x128xf32>
    %abs3A_69 = math.absf %get3A_7 : vector<16x128xf32>
    %neg3A_70 = arith.constant 0.000000e+00 : f32
    %neg3A_71 = vector.broadcast %neg3A_70 : f32 to vector<16x128xf32>
    %neg3A_72 = arith.subf %neg3A_71, %abs3A_69 : vector<16x128xf32>
    %exp3A_73 = math.exp %neg3A_72 : vector<16x128xf32>
    %ge3A_74 = arith.constant 0.000000e+00 : f32
    %ge3A_75 = vector.broadcast %ge3A_74 : f32 to vector<16x128xf32>
    %ge3A_76 = arith.cmpf oge, %get3A_7, %ge3A_75 : vector<16x128xf32>
    %add3A_77 = arith.constant 1.000000e+00 : f32
    %add3A_78 = vector.broadcast %add3A_77 : f32 to vector<16x128xf32>
    %add3A_79 = arith.addf %add3A_78, %exp3A_73 : vector<16x128xf32>
    %div3A_80 = arith.constant 1.000000e+00 : f32
    %div3A_81 = vector.broadcast %div3A_80 : f32 to vector<16x128xf32>
    %div3A_82 = arith.divf %div3A_81, %add3A_79 : vector<16x128xf32>
    %add3A_83 = arith.constant 1.000000e+00 : f32
    %add3A_84 = vector.broadcast %add3A_83 : f32 to vector<16x128xf32>
    %add3A_85 = arith.addf %add3A_84, %exp3A_73 : vector<16x128xf32>
    %div3A_86 = arith.divf %exp3A_73, %add3A_85 : vector<16x128xf32>
    %select_n3A_87 = arith.select %ge3A_76, %div3A_82, %div3A_86 : vector<16x128xi1>, vector<16x128xf32>
    %get3A_88 = arith.constant 1 : index
    %get3A_89 = arith.constant 0 : index
    %get3A_90 = arith.constant 0 : index
    %get3A_91 = vector.load %arg2[%get3A_88, %get3A_89, %get3A_90] : memref<4x16x128xf32, #tpu.memory_space<vmem>>, vector<1x16x128xf32>
    %get3A_92 = vector.shape_cast %get3A_91 : vector<1x16x128xf32> to vector<16x128xf32>
    %sub3A_93 = arith.subf %select_n3A_87, %get3A_92 : vector<16x128xf32>
    %integer_pow3A_94 = arith.mulf %sub3A_93, %sub3A_93 : vector<16x128xf32>
    %add3A_95 = arith.addf %integer_pow3A, %integer_pow3A_94 : vector<16x128xf32>
    %get3A_96 = arith.constant 2 : index
    %get3A_97 = arith.constant 0 : index
    %get3A_98 = arith.constant 0 : index
    %get3A_99 = vector.load %arg2[%get3A_96, %get3A_97, %get3A_98] : memref<4x16x128xf32, #tpu.memory_space<vmem>>, vector<1x16x128xf32>
    %get3A_100 = vector.shape_cast %get3A_99 : vector<1x16x128xf32> to vector<16x128xf32>
    %sub3A_101 = arith.subf %get3A_10, %get3A_100 : vector<16x128xf32>
    %integer_pow3A_102 = arith.mulf %sub3A_101, %sub3A_101 : vector<16x128xf32>
    %add3A_103 = arith.addf %add3A_95, %integer_pow3A_102 : vector<16x128xf32>
    %get3A_104 = arith.constant 3 : index
    %get3A_105 = arith.constant 0 : index
    %get3A_106 = arith.constant 0 : index
    %get3A_107 = vector.load %arg2[%get3A_104, %get3A_105, %get3A_106] : memref<4x16x128xf32, #tpu.memory_space<vmem>>, vector<1x16x128xf32>
    %get3A_108 = vector.shape_cast %get3A_107 : vector<1x16x128xf32> to vector<16x128xf32>
    %sub3A_109 = arith.subf %get3A_13, %get3A_108 : vector<16x128xf32>
    %integer_pow3A_110 = arith.mulf %sub3A_109, %sub3A_109 : vector<16x128xf32>
    %add3A_111 = arith.addf %add3A_103, %integer_pow3A_110 : vector<16x128xf32>
    %mul3A_112 = arith.mulf %get3A_1, %add3A_111 : vector<16x128xf32>
    %reduce_sum3A_113 = vector.shape_cast %mul3A_112 : vector<16x128xf32> to vector<1x16x128xf32>
    %reduce_sum3A_114 = arith.constant dense<0.000000e+00> : vector<1xf32>
    %reduce_sum3A_115 = vector.multi_reduction <add>, %reduce_sum3A_113, %reduce_sum3A_114 [1, 2] : vector<1x16x128xf32> to vector<1xf32>
    %reduce_sum3A_116 = vector.shape_cast %reduce_sum3A_115 : vector<1xf32> to vector<1x1x1xf32>
    %reduce_sum3A_117 = vector.extract %reduce_sum3A_116[0, 0, 0] : f32 from vector<1x1x1xf32>
    %mul3A_118 = arith.constant 5.000000e+00 : f32
    %mul3A_119 = arith.mulf %mul3A_118, %reduce_sum3A_117 : f32
    %get3A_120 = arith.constant 0 : index
    %get3A_121 = memref.load %arg0[%get3A_120] : memref<1xf32, #tpu.memory_space<smem>>
    %mul3A_122 = arith.constant 5.000000e-01 : f32
    %mul3A_123 = arith.mulf %mul3A_122, %get3A_121 : f32
    %add3A_124 = arith.addf %mul3A_123, %reduce_sum3A_46 : f32
    %add3A_125 = arith.addf %add3A_124, %mul3A_119 : f32
    %div3A_126 = arith.constant 1.600000e+01 : f32
    %div3A_127 = arith.divf %add3A_125, %div3A_126 : f32
    %swap3A = memref.load %arg4[] : memref<f32, #tpu.memory_space<smem>>
    memref.store %div3A_127, %arg4[] : memref<f32, #tpu.memory_space<smem>>
    %div3A_128 = arith.constant 1.600000e+01 : f32
    %div3A_129 = arith.divf %add3A_124, %div3A_128 : f32
    %swap3A_130 = memref.load %arg5[] : memref<f32, #tpu.memory_space<smem>>
    memref.store %div3A_129, %arg5[] : memref<f32, #tpu.memory_space<smem>>
    %div3A_131 = arith.constant 1.600000e+01 : f32
    %div3A_132 = arith.divf %mul3A_119, %div3A_131 : f32
    %swap3A_133 = memref.load %arg6[] : memref<f32, #tpu.memory_space<smem>>
    memref.store %div3A_132, %arg6[] : memref<f32, #tpu.memory_space<smem>>
    return
  }
}

module attributes {stable_mosaic.version = 14 : i64} {
  func.func @_dense_body(%arg0: i32, %arg1: memref<2x1x64x4096xf32, #tpu.memory_space<vmem>>, %arg2: memref<2x1x64x4096xf32, #tpu.memory_space<vmem>>, %arg3: memref<2x1x64x4096xf32, #tpu.memory_space<vmem>>, %arg4: memref<1xf32, #tpu.memory_space<smem>>) attributes {dimension_semantics = [#tpu.dimension_semantics<arbitrary>], iteration_bounds = array<i64: 8>, scalar_prefetch = 0 : i64, scratch_operands = 0 : i64, tpu.core_type = #tpu.core_type<tc>, window_params = [{transform_indices = @transform_0, window_bounds = array<i64: 2, 1, 64, 4096>}, {transform_indices = @transform_1, window_bounds = array<i64: 2, 1, 64, 4096>}, {transform_indices = @transform_2, window_bounds = array<i64: 2, 1, 64, 4096>}, {transform_indices = @transform_3, window_bounds = array<i64: 1>}]} {
    %eq3A = arith.constant 0 : i32
    %eq3A_0 = arith.cmpi eq, %arg0, %eq3A : i32
    %convert_element_type3A = arith.extui %eq3A_0 : i1 to i32
    %cond3A = arith.constant 0 : i32
    %cond3A_1 = arith.cmpi ne, %convert_element_type3A, %cond3A : i32
    scf.if %cond3A_1 {
      %swap3A_69 = arith.constant 0.000000e+00 : f32
      %swap3A_70 = arith.constant 0 : index
      %swap3A_71 = memref.load %arg4[%swap3A_70] : memref<1xf32, #tpu.memory_space<smem>>
      memref.store %swap3A_69, %arg4[%swap3A_70] : memref<1xf32, #tpu.memory_space<smem>>
    } else {
    }
    %get3A = arith.constant 0 : index
    %get3A_2 = memref.load %arg4[%get3A] : memref<1xf32, #tpu.memory_space<smem>>
    %get3A_3 = arith.constant 0 : index
    %get3A_4 = arith.constant 0 : index
    %get3A_5 = arith.constant 0 : index
    %get3A_6 = arith.constant 0 : index
    %get3A_7 = vector.load %arg1[%get3A_3, %get3A_4, %get3A_5, %get3A_6] : memref<2x1x64x4096xf32, #tpu.memory_space<vmem>>, vector<2x1x64x4096xf32>
    %max3A = arith.constant 0.000000e+00 : f32
    %max3A_8 = vector.broadcast %max3A : f32 to vector<2x1x64x4096xf32>
    %max3A_9 = arith.maximumf %get3A_7, %max3A_8 : vector<2x1x64x4096xf32>
    %abs3A = math.absf %get3A_7 : vector<2x1x64x4096xf32>
    %neg3A = arith.constant 0.000000e+00 : f32
    %neg3A_10 = vector.broadcast %neg3A : f32 to vector<2x1x64x4096xf32>
    %neg3A_11 = arith.subf %neg3A_10, %abs3A : vector<2x1x64x4096xf32>
    %exp3A = math.exp %neg3A_11 : vector<2x1x64x4096xf32>
    %add3A = arith.constant 1.000000e+00 : f32
    %add3A_12 = vector.broadcast %add3A : f32 to vector<2x1x64x4096xf32>
    %add3A_13 = arith.addf %add3A_12, %exp3A : vector<2x1x64x4096xf32>
    %log3A = math.log %add3A_13 : vector<2x1x64x4096xf32>
    %add3A_14 = arith.addf %max3A_9, %log3A : vector<2x1x64x4096xf32>
    %reduce_sum3A = vector.shape_cast %add3A_14 : vector<2x1x64x4096xf32> to vector<1x2x1x64x4096xf32>
    %reduce_sum3A_15 = arith.constant dense<0.000000e+00> : vector<1xf32>
    %reduce_sum3A_16 = vector.multi_reduction <add>, %reduce_sum3A, %reduce_sum3A_15 [1, 2, 3, 4] : vector<1x2x1x64x4096xf32> to vector<1xf32>
    %reduce_sum3A_17 = vector.shape_cast %reduce_sum3A_16 : vector<1xf32> to vector<1x1x1x1x1xf32>
    %reduce_sum3A_18 = vector.extract %reduce_sum3A_17[0, 0, 0, 0, 0] : f32 from vector<1x1x1x1x1xf32>
    %get3A_19 = arith.constant 0 : index
    %get3A_20 = arith.constant 0 : index
    %get3A_21 = arith.constant 0 : index
    %get3A_22 = arith.constant 0 : index
    %get3A_23 = vector.load %arg2[%get3A_19, %get3A_20, %get3A_21, %get3A_22] : memref<2x1x64x4096xf32, #tpu.memory_space<vmem>>, vector<2x1x64x4096xf32>
    %max3A_24 = arith.constant 0.000000e+00 : f32
    %max3A_25 = vector.broadcast %max3A_24 : f32 to vector<2x1x64x4096xf32>
    %max3A_26 = arith.maximumf %get3A_23, %max3A_25 : vector<2x1x64x4096xf32>
    %abs3A_27 = math.absf %get3A_23 : vector<2x1x64x4096xf32>
    %neg3A_28 = arith.constant 0.000000e+00 : f32
    %neg3A_29 = vector.broadcast %neg3A_28 : f32 to vector<2x1x64x4096xf32>
    %neg3A_30 = arith.subf %neg3A_29, %abs3A_27 : vector<2x1x64x4096xf32>
    %exp3A_31 = math.exp %neg3A_30 : vector<2x1x64x4096xf32>
    %add3A_32 = arith.constant 1.000000e+00 : f32
    %add3A_33 = vector.broadcast %add3A_32 : f32 to vector<2x1x64x4096xf32>
    %add3A_34 = arith.addf %add3A_33, %exp3A_31 : vector<2x1x64x4096xf32>
    %log3A_35 = math.log %add3A_34 : vector<2x1x64x4096xf32>
    %add3A_36 = arith.addf %max3A_26, %log3A_35 : vector<2x1x64x4096xf32>
    %reduce_sum3A_37 = vector.shape_cast %add3A_36 : vector<2x1x64x4096xf32> to vector<1x2x1x64x4096xf32>
    %reduce_sum3A_38 = arith.constant dense<0.000000e+00> : vector<1xf32>
    %reduce_sum3A_39 = vector.multi_reduction <add>, %reduce_sum3A_37, %reduce_sum3A_38 [1, 2, 3, 4] : vector<1x2x1x64x4096xf32> to vector<1xf32>
    %reduce_sum3A_40 = vector.shape_cast %reduce_sum3A_39 : vector<1xf32> to vector<1x1x1x1x1xf32>
    %reduce_sum3A_41 = vector.extract %reduce_sum3A_40[0, 0, 0, 0, 0] : f32 from vector<1x1x1x1x1xf32>
    %add3A_42 = arith.addf %reduce_sum3A_18, %reduce_sum3A_41 : f32
    %get3A_43 = arith.constant 0 : index
    %get3A_44 = arith.constant 0 : index
    %get3A_45 = arith.constant 0 : index
    %get3A_46 = arith.constant 0 : index
    %get3A_47 = vector.load %arg3[%get3A_43, %get3A_44, %get3A_45, %get3A_46] : memref<2x1x64x4096xf32, #tpu.memory_space<vmem>>, vector<2x1x64x4096xf32>
    %max3A_48 = arith.constant 0.000000e+00 : f32
    %max3A_49 = vector.broadcast %max3A_48 : f32 to vector<2x1x64x4096xf32>
    %max3A_50 = arith.maximumf %get3A_47, %max3A_49 : vector<2x1x64x4096xf32>
    %abs3A_51 = math.absf %get3A_47 : vector<2x1x64x4096xf32>
    %neg3A_52 = arith.constant 0.000000e+00 : f32
    %neg3A_53 = vector.broadcast %neg3A_52 : f32 to vector<2x1x64x4096xf32>
    %neg3A_54 = arith.subf %neg3A_53, %abs3A_51 : vector<2x1x64x4096xf32>
    %exp3A_55 = math.exp %neg3A_54 : vector<2x1x64x4096xf32>
    %add3A_56 = arith.constant 1.000000e+00 : f32
    %add3A_57 = vector.broadcast %add3A_56 : f32 to vector<2x1x64x4096xf32>
    %add3A_58 = arith.addf %add3A_57, %exp3A_55 : vector<2x1x64x4096xf32>
    %log3A_59 = math.log %add3A_58 : vector<2x1x64x4096xf32>
    %add3A_60 = arith.addf %max3A_50, %log3A_59 : vector<2x1x64x4096xf32>
    %reduce_sum3A_61 = vector.shape_cast %add3A_60 : vector<2x1x64x4096xf32> to vector<1x2x1x64x4096xf32>
    %reduce_sum3A_62 = arith.constant dense<0.000000e+00> : vector<1xf32>
    %reduce_sum3A_63 = vector.multi_reduction <add>, %reduce_sum3A_61, %reduce_sum3A_62 [1, 2, 3, 4] : vector<1x2x1x64x4096xf32> to vector<1xf32>
    %reduce_sum3A_64 = vector.shape_cast %reduce_sum3A_63 : vector<1xf32> to vector<1x1x1x1x1xf32>
    %reduce_sum3A_65 = vector.extract %reduce_sum3A_64[0, 0, 0, 0, 0] : f32 from vector<1x1x1x1x1xf32>
    %add3A_66 = arith.addf %add3A_42, %reduce_sum3A_65 : f32
    %add3A_67 = arith.addf %get3A_2, %add3A_66 : f32
    %swap3A = arith.constant 0 : index
    %swap3A_68 = memref.load %arg4[%swap3A] : memref<1xf32, #tpu.memory_space<smem>>
    memref.store %add3A_67, %arg4[%swap3A] : memref<1xf32, #tpu.memory_space<smem>>
    return
  }
  func.func @transform_0(%arg0: i32) -> (i32, i32, i32, i32) {
    %c4_i32 = arith.constant 4 : i32
    %c0_i32 = arith.constant 0 : i32
    %c0_i32_0 = arith.constant 0 : i32
    %c0_i32_1 = arith.constant 0 : i32
    return %arg0, %c4_i32, %c0_i32, %c0_i32_0 : i32, i32, i32, i32
  }
  func.func @transform_1(%arg0: i32) -> (i32, i32, i32, i32) {
    %c9_i32 = arith.constant 9 : i32
    %c0_i32 = arith.constant 0 : i32
    %c0_i32_0 = arith.constant 0 : i32
    %c0_i32_1 = arith.constant 0 : i32
    return %arg0, %c9_i32, %c0_i32, %c0_i32_0 : i32, i32, i32, i32
  }
  func.func @transform_2(%arg0: i32) -> (i32, i32, i32, i32) {
    %c14_i32 = arith.constant 14 : i32
    %c0_i32 = arith.constant 0 : i32
    %c0_i32_0 = arith.constant 0 : i32
    %c0_i32_1 = arith.constant 0 : i32
    return %arg0, %c14_i32, %c0_i32, %c0_i32_0 : i32, i32, i32, i32
  }
  func.func @transform_3(%arg0: i32) -> i32 {
    %c0_i32 = arith.constant 0 : i32
    %c0_i32_0 = arith.constant 0 : i32
    return %c0_i32 : i32
  }
}

</mosaic_0001>

<sc_bundles>
// kernel: kernel.6.cloned.1.call-start
scs
__scs_entry_jumppad:
0x0: {  	(pc) =	sbr.rel $0x88, $3  }
0x1: {  	(tag) =	ssettag $0x0;
	lr =	simm.s32 $0x1  }
0x2: {  	[smem:$0x3F9E] =	sst lr;
	_ =	strace $0xD0000000  }
0x3: {  	_ = 	snop  }
0x4: {  	_ = 	snop  }
0x5: {  	_ = 	snop  }
0x6: {  	_ = 	snop  }
0x7: {  	_ = 	snop  }
__scs_overlays_trampoline_lowered:
0x8: {  	[smem:$0x3FAD] =	sst s0  }
0x9: {  	[smem:$0x3FAE] =	sst s1  }
0xa: {  	[smem:$0x3FAF] =	sst s2  }
0xb: {  	[smem:$0x3FB0] =	sst s3  }
0xc: {  	[smem:$0x3FB1] =	sst s4  }
0xd: {  	[smem:$0x3FB2] =	sst s5  }
0xe: {  	[smem:$0x3FB3] =	sst s6  }
0xf: {  	[smem:$0x3FB4] =	sst s7  }
0x10: {  	[smem:$0x3FB5] =	sst s8  }
0x11: {  	[smem:$0x3FB6] =	sst s9;
	s0 =	simm.s32 @!p0 $0x0  }
0x12: {  	s1 =	sld [smem:$0x3F9C];
	s0 =	simm.s32 @p0 $0x1  }
0x13: {  	[smem:$0x3FB7] =	sst s0;
	s0 =	simm.s32 @!p1 $0x0  }
0x14: {  	s2 =	sld [smem:$0x3F9B];
	s0 =	simm.s32 @p1 $0x1  }
0x15: {  	[smem:$0x3FB8] =	sst s0;
	s0 =	simm.s32 @!p2 $0x0  }
0x16: {  	s3 =	sld [smem:$0x3FDB];
	s0 =	simm.s32 @p2 $0x1  }
0x17: {  	s4 =	simm.s32 $0x1BF5;
	[smem:$0x3FBA] =	sst s0  }
0x18: {  	s0 =	sld [smem:$0x3F9D];
	_ =	swait.ge [sflag:s4], $0x0  }
0x19: {  	s7 =	sld [smem:$0x3F9E]  }
0x1a: {  	s8 =	sadd.s32 $0xFFFFE003, lr  }
0x1b: {  	s9 =	sadd.s32 $0xFFFFFEF7, lr;
	s5 =	simm.s32 $0xFFFFFFFF;
	p2 =	slt.u32 s8, $0xFFFFF086  }
0x1c: {  	p1 =	slt.u32 s9, $0xF7A;
	s5 =	simm.s32 @!p2 $0x0  }
0x1d: {  	s5 =	simm.s32 @p1 $0x1;
	p0 =	seq.s32 s7, s2  }
0x1e: {  	s7 =	smul.u32 @!p0 $0xF7A, s2;
	p2 =	seq.s32 @!p0 s5, $0x0  }
0x1f: {  	s9 =	smul.u32 $0xF7A, s1;
	s8 =	simm.s32 @!p0 $0x1BF5;
	p2 =	por !p2, p0  }
0x20: {  	[sflag:s8] =	ssyncset.s32 @!p0 $0xFFFFF086;
	s6 =	sadd.s32 @!p0 s3, s7;
	s7 =	simm.s32 @!p0 $0x108  }
0x21: {  	s3 =	sadd.s32 s3, s9;
	s6 =	sadd.s32 @!p0 $0x88, s6;
	s7 =	simm.s32 @p2 $0x1082  }
0x22: {  	[simem:s7], [sflag:s8] =	dma.local @!p0 [hbm:s6], $0xF7A  }
0x23: {  	s9 =	sor.u32 $0xD0000000, s2;
	s6 =	simm.s32 $0x108;
	_ =	swait.ge @!p0 [sflag:s8], $0x0  }
0x24: {  	s3 =	sadd.s32 $0x88, s3;
	s6 =	simm.s32 @!p1 $0x1082;
	[sflag:s4] =	ssyncset.s32 $0xFFFFF086  }
0x25: {  	[simem:s6], [sflag:s4] =	dma.local [hbm:s3], $0xF7A  }
0x26: {  	[smem:$0x3F9E] =	sst s1;
	(tag) =	ssettag s2;
	_ =	strace s9  }
0x27: {  	s1 =	sld [smem:$0x3FAE]  }
0x28: {  	s2 =	sld [smem:$0x3FAF]  }
0x29: {  	s4 =	sld [smem:$0x3FB1]  }
0x2a: {  	p0 =	seq.s32 s5, $0x0;
	s5 =	sld [smem:$0x3FB2]  }
0x2b: {  	s6 =	sld [smem:$0x3FB3]  }
0x2c: {  	s7 =	sld [smem:$0x3FB4]  }
0x2d: {  	s3 =	simm.s32 $0x108;
	s8 =	sld [smem:$0x3FB5]  }
0x2e: {  	s3 =	simm.s32 @!p0 $0x1082;
	s9 =	sld [smem:$0x3FB6]  }
0x2f: {  	lr =	sadd.s32 s0, s3;
	s0 =	sld [smem:$0x3FAD]  }
0x30: {  	s3 =	sld [smem:$0x3FB0]  }
0x31: {  	[smem:$0x3FB9] =	sst s10  }
0x32: {  	s10 =	sld [smem:$0x3FB7];
	_ =	sdelay $0x3  }
0x33: {  	p0 =	seq.s32 s10, $0x1;
	s10 =	sld [smem:$0x3FB9];
	_ =	sdelay $0x3  }
0x34: {  	[smem:$0x3FB9] =	sst s10  }
0x35: {  	s10 =	sld [smem:$0x3FB8];
	_ =	sdelay $0x3  }
0x36: {  	p1 =	seq.s32 s10, $0x1;
	s10 =	sld [smem:$0x3FB9];
	_ =	sdelay $0x3  }
0x37: {  	[smem:$0x3FB9] =	sst s10  }
0x38: {  	s10 =	sld [smem:$0x3FBA]  }
0x39: {  	_ = 	snop;
	(pc) =	sbr.ind lr, $3  }
0x3a: {  	_ = 	snop  }
0x3b: {  	_ = 	snop  }
0x3c: {  	p2 =	seq.s32 s10, $0x1;
	s10 =	sld [smem:$0x3FB9]  }
0x3d: {  	_ =	shalt  }
0x3e: {  	_ =	shalt  }
0x3f: {  	_ =	shalt  }
0x40: {  	_ =	shalt  }
0x41: {  	_ =	shalt  }
0x42: {  	_ =	shalt  }
0x43: {  	_ =	shalt  }
0x44: {  	_ =	shalt  }
0x45: {  	_ =	shalt  }
0x46: {  	_ =	shalt  }
0x47: {  	_ =	shalt  }
0x48: {  	_ =	shalt  }
0x49: {  	_ =	shalt  }
0x4a: {  	_ =	shalt  }
0x4b: {  	_ =	shalt  }
0x4c: {  	_ =	shalt  }
0x4d: {  	_ =	shalt  }
0x4e: {  	_ =	shalt  }
0x4f: {  	_ =	shalt  }
0x50: {  	_ =	shalt  }
0x51: {  	_ =	shalt  }
0x52: {  	_ =	shalt  }
0x53: {  	_ =	shalt  }
0x54: {  	_ =	shalt  }
0x55: {  	_ =	shalt  }
0x56: {  	_ =	shalt  }
0x57: {  	_ =	shalt  }
0x58: {  	_ =	shalt  }
0x59: {  	_ =	shalt  }
0x5a: {  	_ =	shalt  }
0x5b: {  	_ =	shalt  }
0x5c: {  	_ =	shalt  }
0x5d: {  	_ =	shalt  }
0x5e: {  	_ =	shalt  }
0x5f: {  	_ =	shalt  }
0x60: {  	_ =	shalt  }
0x61: {  	_ =	shalt  }
0x62: {  	_ =	shalt  }
0x63: {  	_ =	shalt  }
0x64: {  	_ =	shalt  }
0x65: {  	_ =	shalt  }
0x66: {  	_ =	shalt  }
0x67: {  	_ =	shalt  }
0x68: {  	_ =	shalt  }
0x69: {  	_ =	shalt  }
0x6a: {  	_ =	shalt  }
0x6b: {  	_ =	shalt  }
0x6c: {  	_ =	shalt  }
0x6d: {  	_ =	shalt  }
0x6e: {  	_ =	shalt  }
0x6f: {  	_ =	shalt  }
0x70: {  	_ =	shalt  }
0x71: {  	_ =	shalt  }
0x72: {  	_ =	shalt  }
0x73: {  	_ =	shalt  }
0x74: {  	_ =	shalt  }
0x75: {  	_ =	shalt  }
0x76: {  	_ =	shalt  }
0x77: {  	_ =	shalt  }
0x78: {  	_ =	shalt  }
0x79: {  	_ =	shalt  }
0x7a: {  	_ =	shalt  }
0x7b: {  	_ =	shalt  }
0x7c: {  	_ =	shalt  }
0x7d: {  	_ =	shalt  }
0x7e: {  	_ =	shalt  }
0x7f: {  	_ =	shalt  }
0x80: {  	_ =	shalt  }
0x81: {  	_ =	shalt  }
0x82: {  	_ =	shalt  }
0x83: {  	_ =	shalt  }
0x84: {  	_ =	shalt  }
0x85: {  	_ =	shalt  }
0x86: {  	_ =	shalt  }
0x87: {  	_ =	shalt  }
.Lfunc_end0:
.L_simem_size_0:
called_computation_lowered:
.L_overlay_start_0:
0x88: {  	s0 =	sld [smem:$0x3FD9]  }
0x89: {  	s1 =	sld [smem:$0x3FFE];
	_ =	sdelay $0x3  }
0x8a: {  	s0 =	sadd.s32 s1, s0  }
0x8b: {  	[smem:$0x3FC5] =	sst s0  }
0x8c: {  	_ = 	snop  }
0x8d: {  	s0 =	sld [smem:$0x3FC9];
	(tm) =	ssettm $0x1  }
0x8e: {  	s16 =	sld [smem:$0x3FFB];
	_ =	sdelay $0x3  }
0x8f: {  	_ =	strace s16  }
0x90: {  	s1 =	sld [smem:$0x3FFC];
	_ =	sdelay $0x3  }
0x91: {  	_ =	strace s1  }
0x92: {  	s1 =	sld [smem:$0x3FFD];
	_ =	sdelay $0x3  }
0x93: {  	_ =	strace s1  }
0x94: {  	_ =	strace $0x8FFFFFFF  }
0x95: {  	s17 =	sld [smem:$0x3FDB];
	_ =	sdelay $0x1  }
0x96: {  	s2 =	simm.s32 $_scs_section_size  }
0x97: {  	s3 =	simm.s32 $_size__tile_overlayer_lowered;
	s4 =	simm.s32 $_tile_overlayer_lowered  }
0x98: {  	s20 =	simm.s32 $0x1BFF;
	s19 =	sshll.u32 s4, $0x1;
	s1 =	sadd.s32 s2, s17  }
0x99: {  	s5 =	simm.s32 $0x0;
	s18 =	sshll.u32 s3, $0x1;
	s3 =	sadd.s32 s19, s1  }
0x9a: {  	[timem:s5], [sflag:s20] =	dma.local [hbm:s3], s18  }
0x9b: {  	_ =	swait.ge [sflag:s20], s18  }
0x9c: {  	s2 =	ssub.s32 $0x0, s18;
	[sflag:s20] =	ssyncset.done $0x0  }
0x9d: {  	[sflag:s20] =	ssyncadd.s32 s2;
	_ =	sdelay $0x1  }
0x9e: {  	s21 =	simm.s32 $0x1B8B  }
0x9f: {  	_ =	swait.ge [sflag:s21], $0x1  }
0xa0: {  	[sflag:s21] =	ssyncset.done $0x0  }
0xa1: {  	s23 =	simm.s32 $0x1B8E;
	s22 =	sld [smem:$0x3FFE];
	[sflag:s21] =	ssyncadd.s32 $0xFFFFFFFF  }
0xa2: {  	s24 =	simm.s32 $execute0_lowered;
	[smem:$0x3FD2] =	sst s23  }
0xa3: {  	s3 =	sshll.u32 s24, $0x1;
	_ =	strace $0x80000046;
	[dreg:$0x1] =	wrdreg $0xFFFFFFFF  }
0xa4: {  	s25 =	simm.s32 $_size_execute0_lowered;
	s1 =	sadd.s32 s1, s3;
	[dreg:$0x0] =	wrdreg $0x0  }
0xa5: {  	s3 =	sshll.u32 s25, $0x1;
	[dreg:$0x2] =	wrdreg s1  }
0xa6: {  	[dreg:$0x3] =	wrdreg s3  }
0xa7: {  	[dreg:$0x4] =	wrdreg $0xC0  }
0xa8: {  	_ =	task [dreg:s5], $0x5FFFF  }
0xa9: {  	[dreg:$0x1] =	wrdreg $0xFFFFFFFF  }
0xaa: {  	[dreg:$0x0] =	wrdreg $0x60  }
0xab: {  	[dreg:$0x2] =	wrdreg s0  }
0xac: {  	[dreg:$0x3] =	wrdreg s22  }
0xad: {  	[dreg:$0x4] =	wrdreg $0x9  }
0xae: {  	_ =	task.clear_ibuf [dreg:s5], $0x5FFFF;
	_ =	strace $0x90000046  }
0xaf: {  	s26 =	simm.s32 $0x9;
	_ =	strace $0x80000048  }
0xb0: {  	_ =	swait.ge [sflag:s26], $0x1  }
0xb1: {  	[sflag:s26] =	ssyncadd.s32 $0xFFFFFFFF  }
0xb2: {  	_ =	strace $0x90000048  }
0xb3: {  	_ =	sfence  }
0xb4: {  	s28 =	sld [smem:$0x0];
	_ =	sdelay $0x1  }
0xb5: {  	s29 =	srdreg.scid  }
0xb6: {  	s30 =	sshll.u32 s29, $0xD;
	s31 =	sshrl.u32 s29, $0x2  }
0xb7: {  	s2 =	sand.u32 $0x4000, s30;
	s1 =	sand.u32 $0x1, s29;
	s0 =	sadd.s32 s31, s28  }
0xb8: {  	s1 =	sor.u32 s2, s1;
	s0 =	sshll.u32 s0, $0x11  }
0xb9: {  	s0 =	sor.u32 s0, s1  }
0xba: {  	s0 =	sadd.s32 $0x8F2B, s0  }
0xbb: {  	[sflag:s0] =	ssyncadd.remote.s32 $0x1  }
0xbc: {  	_ =	sfence.sel $0xFFFF  }
0xbd: {  	[dreg:$0x0] =	wrdreg $0xFFFFFFFF;
	(pc) =	sbr.abs _section_cstart, $3  }
0xbe: {  	[dreg:$0x1] =	wrdreg $0xFFFFFFFF  }
0xbf: {  	_ =	task.clear_ibuf [dreg:s5], $0x2FFFF;
	_ =	strace $0x9FFFFFFF  }
0xc0: {  	(tm) =	ssettm $0x7FFFFFFF  }
0xc1: {  	_ =	shalt  }
tec
execute0_lowered:
.L_overlay_start_1:
0x0: {  	(tag) =	ssettag $0x1  }
0x1: {  	s0 =	rddreg [dreg:$0x0]  }
0x2: {  	s1 =	rddreg [dreg:$0x1];
	s2 =	stileid.u32  }
0x3: {  	s3 =	rddreg [dreg:$0x2];
	s4 =	simm.s32 $0x0;
	s5 =	sshll.u32 s2, $0x7  }
0x4: {  	[smem:$0x7FF] =	sst s4;
	s1 =	sadd.s32 s5, s1  }
0x5: {  	s22 =	simm.s32 $0x2;
	_ =	strace $0x80000047;
	s5 =	sadd.s32 $0x1600, s1  }
0x6: {  	[tilespmem:s4], [sflag:$0x2] =	stream.linear.gather [hbm4b:s5+s4], $0x300, $0x38;
	[tilespmem:$0x800] =	vst v63  }
0x7: {  	_ =	swait.ge [sflag:s22], $0x300  }
0x8: {  	[sflag:s22] =	ssyncset.done $0x0  }
0x9: {  	s6 =	simm.s32 $0x80;
	s7 =	simm.s32 $0x400;
	[sflag:s22] =	ssyncadd.s32 $0xFFFFFD00  }
0xa: {  	[tilespmem:s7], [sflag:$0x1] =	stream.indirect.gather [hbm4b:s0+s6], $0x1, s4, s6, $0xb8;
	[tilespmem:$0x800] =	vst v63  }
0xb: {  	s8 =	simm.s32 $0x480  }
0xc: {  	[tilespmem:s8], [sflag:$0x1] =	stream.indirect.gather [hbm4b:s0+s6], $0x1, s6, s6, $0xb8;
	[tilespmem:$0x800] =	vst v63  }
0xd: {  	s23 =	simm.s32 $0x100;
	s9 =	simm.s32 $0x500  }
0xe: {  	[tilespmem:s9], [sflag:$0x1] =	stream.indirect.gather [hbm4b:s0+s6], $0x1, s23, s6, $0xb8;
	[tilespmem:$0x800] =	vst v63  }
0xf: {  	s24 =	simm.s32 $0x180;
	s25 =	simm.s32 $0x580  }
0x10: {  	[tilespmem:s25], [sflag:$0x1] =	stream.indirect.gather [hbm4b:s0+s6], $0x1, s24, s6, $0xb8;
	[tilespmem:$0x800] =	vst v63  }
0x11: {  	s26 =	simm.s32 $0x200;
	s28 =	simm.s32 $0x600  }
0x12: {  	[tilespmem:s28], [sflag:$0x1] =	stream.indirect.gather [hbm4b:s0+s6], $0x1, s26, s6, $0xb8;
	[tilespmem:$0x800] =	vst v63  }
0x13: {  	s29 =	simm.s32 $0x280;
	s30 =	simm.s32 $0x680;
	s31 =	simm.s32 $0x1  }
0x14: {  	[tilespmem:s30], [sflag:$0x1] =	stream.indirect.gather [hbm4b:s0+s6], $0x1, s29, s6, $0xb8;
	[tilespmem:$0x800] =	vst v63  }
0x15: {  	_ =	swait.ge [sflag:s31], $0x80  }
0x16: {  	[sflag:s31] =	ssyncset.done $0x0  }
0x17: {  	[sflag:s31] =	ssyncadd.s32 $0xFFFFFF80  }
0x18: {  	_ =	swait.ge [sflag:s31], $0x80  }
0x19: {  	[sflag:s31] =	ssyncset.done $0x0  }
0x1a: {  	[sflag:s31] =	ssyncadd.s32 $0xFFFFFF80  }
0x1b: {  	_ =	swait.ge [sflag:s31], $0x80  }
0x1c: {  	[sflag:s31] =	ssyncset.done $0x0  }
0x1d: {  	[sflag:s31] =	ssyncadd.s32 $0xFFFFFF80  }
0x1e: {  	_ =	swait.ge [sflag:s31], $0x80  }
0x1f: {  	[sflag:s31] =	ssyncset.done $0x0  }
0x20: {  	[sflag:s31] =	ssyncadd.s32 $0xFFFFFF80  }
0x21: {  	_ =	swait.ge [sflag:s31], $0x80  }
0x22: {  	[sflag:s31] =	ssyncset.done $0x0  }
0x23: {  	[sflag:s31] =	ssyncadd.s32 $0xFFFFFF80  }
0x24: {  	_ =	swait.ge [sflag:s31], $0x80  }
0x25: {  	[sflag:s31] =	ssyncset.done $0x0  }
0x26: {  	s1 =	sadd.s32 $0x1E00, s1;
	[sflag:s31] =	ssyncadd.s32 $0xFFFFFF80  }
0x27: {  	[hbm4b:s1+s4] =	stream.linear.scatter [tilespmem:s7], [sflag:$0x2], $0x300, $0x38;
	[tilespmem:$0x800] =	vst v63  }
0x28: {  	_ =	swait.ge [sflag:s22], $0x300  }
0x29: {  	[sflag:s22] =	ssyncset.done $0x0  }
0x2a: {  	[sflag:s22] =	ssyncadd.s32 $0xFFFFFD00  }
0x2b: {  	_ =	sfence.sel $0x180000  }
0x2c: {  	[bflag:$0x0] =	sbarrier.arrive $0xFFFF  }
0x2d: {  	p0 =	sne.s32 s2, $0x0;
	_ =	strace $0x90000047  }
0x2e: {  	s0 =	sadd.s32 @!p0 $0x100000, s3;
	[bflag:$0x2] =	sbarrier.arrive $0xFFFF  }
0x2f: {  	[sflag:s0] =	ssyncadd.tile.s32 @!p0 $0x1;
	_ =	shalt  }
.Lfunc_end2:
_tile_overlayer_lowered:
.L_overlay_start_2:
0x30: {  	(tag) =	ssettag $0x2  }
0x31: {  	s0 =	rddreg [dreg:$0x0];
	s2 =	stileid.u32  }
0x32: {  	s1 =	rddreg [dreg:$0x1];
	p0 =	sne.s32 s2, $0x0  }
0x33: {  	s3 =	rddreg [dreg:$0x2];
	[bflag:$0x3] =	sbarrier.arrive $0xFFFF;
	s2 =	simm.s32 @!p0 $0x1C02  }
0x34: {  	[timem:s3], [sflag:s2] =	dma.local @!p0 [hbm:s0], s1  }
0x35: {  	s0 =	simm.s32 @!p0 $0x2  }
0x36: {  	_ =	swait.ge @!p0 [sflag:s0], s1  }
0x37: {  	s1 =	ssub.s32 @!p0 $0x0, s1;
	[sflag:s0] =	ssyncset.done @!p0 $0x0  }
0x38: {  	[sflag:s0] =	ssyncadd.s32 @!p0 s1  }
0x39: {  	[bflag:$0x3] =	sbarrier.arrive $0xFFFF  }
0x3a: {  	_ =	shalt  }

</sc_bundles>
